<compile_context>
chip_gen: v7x
topology: tpu7x:2x2x1
jax: 0.10.2.dev20260603
libtpu: 0.0.44.dev20260713+nightly
codegen_flags: <defaults>
</compile_context>

<pallas_src>
import functools

import jax
import jax.numpy as jnp
from jax import lax
from jax.experimental import pallas as pl
from jax.experimental.pallas import tpu as pltpu
from jax.experimental.pallas import tpu_sc as plsc

B, T, C, M = 16, 512, 256, 2048
ZROW = B * T
TPAD = B * T + 8
MM = M + 128

NC, NS = 2, 16
NW = NC * NS
ROWS = B * M
RPW = ROWS // NW
CH = 128
NCH = RPW // CH


def _idx_body(dur_ref, out_ref):
    b = pl.program_id(0)
    d = dur_ref[...].reshape(1, T)
    df = d.astype(jnp.float32)
    it = lax.broadcasted_iota(jnp.int32, (T, T), 0)
    jt = lax.broadcasted_iota(jnp.int32, (T, T), 1)
    tri = (it <= jt).astype(jnp.float32)
    csum = jnp.dot(df, tri, preferred_element_type=jnp.float32)
    csum_i = csum.astype(jnp.int32)
    mrow = lax.broadcasted_iota(jnp.int32, (M, T), 0)
    mask = csum_i <= mrow
    tid = jnp.sum(mask.astype(jnp.int32), axis=1, keepdims=True)
    gidx = jnp.where(tid >= T, ZROW, b * T + tid)
    total = jnp.sum(d)
    tot_col = jnp.broadcast_to(total, (MM - M, 1))
    out_ref[...] = jnp.concatenate([gidx, tot_col], axis=0).reshape(1, MM, 1)


_idx_call = pl.pallas_call(
    _idx_body,
    grid=(B,),
    in_specs=[pl.BlockSpec((1, 1, T), lambda b: (b, 0, 0))],
    out_specs=pl.BlockSpec((1, MM, 1), lambda b: (b, 0, 0)),
    out_shape=jax.ShapeDtypeStruct((B, MM, 1), jnp.int32),
)


NB = 3


@functools.cache
def _make_sc_gather():
    mesh = plsc.VectorSubcoreMesh(core_axis_name="c", subcore_axis_name="s")

    @functools.partial(
        pl.kernel,
        mesh=mesh,
        out_type=jax.ShapeDtypeStruct((ROWS, C), jnp.float32),
        scratch_types=[
            pltpu.VMEM((RPW,), jnp.int32),
            pltpu.VMEM((NB, CH, C), jnp.float32),
            pltpu.SemaphoreType.DMA,
            pltpu.SemaphoreType.DMA,
            pltpu.SemaphoreType.DMA,
            pltpu.SemaphoreType.DMA,
            pltpu.SemaphoreType.DMA,
            pltpu.SemaphoreType.DMA,
        ],
    )
    def _sc_gather(table_hbm, gidx_hbm, out_hbm, idx_all, bufs, g0, g1, g2,
                   s0, s1, s2):
        gsem = (g0, g1, g2)
        ssem = (s0, s1, s2)
        wid = lax.axis_index("s") * NC + lax.axis_index("c")
        base = wid * RPW
        pltpu.sync_copy(gidx_hbm.at[pl.ds(base, RPW)], idx_all)

        def gather(c):
            j = c % NB
            return pltpu.async_copy(
                table_hbm.at[pl.ds(c * CH, CH)], bufs.at[j],
                gsem[j])

        def scatter(c):
            j = c % NB
            return pltpu.async_copy(
                bufs.at[j], out_hbm.at[pl.ds(base + c * CH, CH)], ssem[j])

        g = [None] * NCH
        s = [None] * NCH
        g[0] = gather(0)
        g[1] = gather(1)
        for c in range(NCH):
            n = c + 2
            if n < NCH:
                if n >= NB:
                    s[n - NB].wait()
                g[n] = gather(n)
            g[c].wait()
            s[c] = scatter(c)
        for c in range(NCH - NB, NCH):
            s[c].wait()

    return _sc_gather


def kernel(x, duration, max_mel_len):
    table = jnp.concatenate(
        [x.reshape(B * T, C), jnp.zeros((TPAD - B * T, C), x.dtype)], axis=0)
    buf = _idx_call(duration.astype(jnp.int32).reshape(B, 1, T)).reshape(B, MM)
    gidx = buf[:, :M].reshape(ROWS)
    total = buf[:, M]
    out = _make_sc_gather()(table, gidx)
    return out.reshape(B, M, C), total

# --- scband reference (transcript-rebuilt; emitter-appended) ---
"""Pipeline reference for scband-length-regulator-21406117003461 (READ-ONLY COPY).

The authoritative reference and input builder live on the scoring server;
editing this copy changes nothing except your own understanding.
"""

import jax, jax.numpy as jnp
import numpy as np


def setup_inputs(seed: int = 0) -> dict:
    key = jax.random.key(seed)
    k1, k2 = jax.random.split(key)
    x = jax.random.normal(k1, (16, 512, 256), dtype=jnp.float32)
    duration = jax.random.randint(k2, (16, 512), 0, 4, dtype=jnp.int32)
    return {"x": x, "duration": duration, "max_mel_len": 2048}


def reference(x, duration, max_mel_len):
    # Faithful translation of LengthRegulator.forward.
    # For each batch b the torch code builds expand_matrix[max_mel_len, T] with
    # expand_matrix[accum:accum+duration[b,t], t] = 1 (accum = cumulative duration),
    # then computes expand_matrix @ x[b]. Equivalent vectorized construction:
    # row m of column t is 1 iff start[t] <= m < start[t] + duration[t],
    # where start = exclusive cumsum of duration (rows beyond max_mel_len are
    # dropped, matching torch slice-clamping semantics).
    B, T, C = x.shape
    duration = duration.astype(jnp.int32)
    csum = jnp.cumsum(duration, axis=1)            # [B, T] inclusive cumsum
    starts = csum - duration                        # [B, T] exclusive cumsum
    M = 2048                                        # static bound; setup_inputs always passes 2048
    m = jnp.arange(M, dtype=jnp.int32)              # [M]
    max_mel_len = jnp.asarray(max_mel_len, dtype=jnp.int32)
    # expand matrix: [B, M, T]; rows at or beyond max_mel_len are zeroed
    # (vacuously true here since m < M == max_mel_len for all rows)
    mat = ((m[None, :, None] >= starts[:, None, :])
           & (m[None, :, None] < csum[:, None, :])
           & (m[None, :, None] < max_mel_len)).astype(x.dtype)
    # expand_matrix @ x[b] for each b, then stack (pad() is a no-op here since
    # every output already has max_mel_len rows, so max_len == max_mel_len).
    out = jnp.einsum('bmt,btc->bmc', mat, x)        # [B, M, C]
    expanded_mel_len = csum[:, -1]                  # [B] total expanded length per batch
    return out, expanded_mel_len

if __name__ == "__main__":
    import jax
    _d = setup_inputs()
    print(jax.jit(kernel)(*tuple(_d.values())))

</pallas_src>

<mosaic_0001>
#map = affine_map<(d0, d1) -> (0, 0)>
#map1 = affine_map<(d0, d1) -> (0)>
module attributes {stable_mosaic.version = 14 : i64} {
  func.func @_sc_gather(%arg0: i32, %arg1: i32, %arg2: memref<8200x256xf32, #tpu.memory_space<hbm>>, %arg3: memref<32768xi32, #tpu.memory_space<hbm>>, %arg4: memref<32768x256xf32, #tpu.memory_space<hbm>>, %arg5: memref<1024xi32, #tpu.memory_space<vmem>>, %arg6: memref<3x128x256xf32, #tpu.memory_space<vmem>>, %arg7: memref<!tpu.dma_semaphore, #tpu.memory_space<semaphore_mem>>, %arg8: memref<!tpu.dma_semaphore, #tpu.memory_space<semaphore_mem>>, %arg9: memref<!tpu.dma_semaphore, #tpu.memory_space<semaphore_mem>>, %arg10: memref<!tpu.dma_semaphore, #tpu.memory_space<semaphore_mem>>, %arg11: memref<!tpu.dma_semaphore, #tpu.memory_space<semaphore_mem>>, %arg12: memref<!tpu.dma_semaphore, #tpu.memory_space<semaphore_mem>>) attributes {dimension_semantics = [#tpu.dimension_semantics<core_parallel>, #tpu.dimension_semantics<subcore_parallel>], iteration_bounds = array<i64: 2, 16>, scalar_prefetch = 0 : i64, scratch_operands = 8 : i64, tpu.core_type = #tpu.core_type<sc_vector_subcore>, window_params = [{transform_indices = #map}, {transform_indices = #map1}, {transform_indices = #map}]} {
    %mul3A = arith.constant 2 : i32
    %mul3A_0 = arith.muli %arg1, %mul3A : i32
    %add3A = arith.addi %mul3A_0, %arg0 : i32
    %mul3A_1 = arith.constant 1024 : i32
    %mul3A_2 = arith.muli %add3A, %mul3A_1 : i32
    "tpu.region"() ({
      %run_scoped3A = tpu.sem_alloc : memref<!tpu.dma_semaphore, #tpu.memory_space<semaphore_mem>>
      %dma_start3A_465 = tpu.memref_slice %arg3[%mul3A_2] : memref<32768xi32, #tpu.memory_space<hbm>> -> memref<1024xi32, #tpu.memory_space<hbm>>
      %dma_start3A_466 = tpu.memref_slice %arg3[%mul3A_2] : memref<32768xi32, #tpu.memory_space<hbm>> -> memref<1024xi32, #tpu.memory_space<hbm>>
      tpu.enqueue_dma source(%dma_start3A_466 : memref<1024xi32, #tpu.memory_space<hbm>>) target(%arg5 : memref<1024xi32, #tpu.memory_space<vmem>>) target_semaphore(%run_scoped3A : memref<!tpu.dma_semaphore, #tpu.memory_space<semaphore_mem>>)
      %dma_wait3A_467 = tpu.memref_slice %arg3[%mul3A_2] : memref<32768xi32, #tpu.memory_space<hbm>> -> memref<1024xi32, #tpu.memory_space<hbm>>
      %dma_wait3A_468 = tpu.memref_slice %arg3[%mul3A_2] : memref<32768xi32, #tpu.memory_space<hbm>> -> memref<1024xi32, #tpu.memory_space<hbm>>
      tpu.wait_dma2 semaphore(%run_scoped3A : memref<!tpu.dma_semaphore, #tpu.memory_space<semaphore_mem>>) src(%dma_wait3A_468 : memref<1024xi32, #tpu.memory_space<hbm>>) dst(%arg5 : memref<1024xi32, #tpu.memory_space<vmem>>)
      tpu.yield
    }) : () -> ()
    %dma_start3A = arith.constant 0 : i32
    %dma_start3A_3 = arith.constant 0 : i32
    %dma_start3A_4 = arith.constant 0 : i32
    %dma_start3A_5 = tpu.memref_slice %arg6[%dma_start3A, %dma_start3A_3, %dma_start3A_4] : memref<3x128x256xf32, #tpu.memory_space<vmem>> -> memref<1x128x256xf32, #tpu.memory_space<vmem>>
    %dma_start3A_6 = tpu.memref_squeeze %dma_start3A_5 : memref<1x128x256xf32, #tpu.memory_space<vmem>> -> memref<128x256xf32, #tpu.memory_space<vmem>>
    %dma_start3A_7 = arith.constant 0 : i32
    %dma_start3A_8 = arith.constant 0 : i32
    %dma_start3A_9 = tpu.memref_slice %arg2[%dma_start3A_7, %dma_start3A_8] : memref<8200x256xf32, #tpu.memory_space<hbm>> -> memref<128x256xf32, #tpu.memory_space<hbm>>
    %dma_start3A_10 = arith.constant 0 : i32
    %dma_start3A_11 = arith.constant 0 : i32
    %dma_start3A_12 = tpu.memref_slice %arg6[%dma_start3A, %dma_start3A_10, %dma_start3A_11] : memref<3x128x256xf32, #tpu.memory_space<vmem>> -> memref<1x128x256xf32, #tpu.memory_space<vmem>>
    %dma_start3A_13 = tpu.memref_squeeze %dma_start3A_12 : memref<1x128x256xf32, #tpu.memory_space<vmem>> -> memref<128x256xf32, #tpu.memory_space<vmem>>
    %dma_start3A_14 = arith.constant 0 : i32
    %dma_start3A_15 = arith.constant 0 : i32
    %dma_start3A_16 = tpu.memref_slice %arg2[%dma_start3A_14, %dma_start3A_15] : memref<8200x256xf32, #tpu.memory_space<hbm>> -> memref<128x256xf32, #tpu.memory_space<hbm>>
    tpu.enqueue_dma source(%dma_start3A_16 : memref<128x256xf32, #tpu.memory_space<hbm>>) target(%dma_start3A_13 : memref<128x256xf32, #tpu.memory_space<vmem>>) target_semaphore(%arg7 : memref<!tpu.dma_semaphore, #tpu.memory_space<semaphore_mem>>)
    %dma_start3A_17 = arith.constant 1 : i32
    %dma_start3A_18 = arith.constant 0 : i32
    %dma_start3A_19 = arith.constant 0 : i32
    %dma_start3A_20 = tpu.memref_slice %arg6[%dma_start3A_17, %dma_start3A_18, %dma_start3A_19] : memref<3x128x256xf32, #tpu.memory_space<vmem>> -> memref<1x128x256xf32, #tpu.memory_space<vmem>>
    %dma_start3A_21 = tpu.memref_squeeze %dma_start3A_20 : memref<1x128x256xf32, #tpu.memory_space<vmem>> -> memref<128x256xf32, #tpu.memory_space<vmem>>
    %dma_start3A_22 = arith.constant 128 : i32
    %dma_start3A_23 = arith.constant 0 : i32
    %dma_start3A_24 = tpu.memref_slice %arg2[%dma_start3A_22, %dma_start3A_23] : memref<8200x256xf32, #tpu.memory_space<hbm>> -> memref<128x256xf32, #tpu.memory_space<hbm>>
    %dma_start3A_25 = arith.constant 0 : i32
    %dma_start3A_26 = arith.constant 0 : i32
    %dma_start3A_27 = tpu.memref_slice %arg6[%dma_start3A_17, %dma_start3A_25, %dma_start3A_26] : memref<3x128x256xf32, #tpu.memory_space<vmem>> -> memref<1x128x256xf32, #tpu.memory_space<vmem>>
    %dma_start3A_28 = tpu.memref_squeeze %dma_start3A_27 : memref<1x128x256xf32, #tpu.memory_space<vmem>> -> memref<128x256xf32, #tpu.memory_space<vmem>>
    %dma_start3A_29 = arith.constant 128 : i32
    %dma_start3A_30 = arith.constant 0 : i32
    %dma_start3A_31 = tpu.memref_slice %arg2[%dma_start3A_29, %dma_start3A_30] : memref<8200x256xf32, #tpu.memory_space<hbm>> -> memref<128x256xf32, #tpu.memory_space<hbm>>
    tpu.enqueue_dma source(%dma_start3A_31 : memref<128x256xf32, #tpu.memory_space<hbm>>) target(%dma_start3A_28 : memref<128x256xf32, #tpu.memory_space<vmem>>) target_semaphore(%arg8 : memref<!tpu.dma_semaphore, #tpu.memory_space<semaphore_mem>>)
    %dma_start3A_32 = arith.constant 2 : i32
    %dma_start3A_33 = arith.constant 0 : i32
    %dma_start3A_34 = arith.constant 0 : i32
    %dma_start3A_35 = tpu.memref_slice %arg6[%dma_start3A_32, %dma_start3A_33, %dma_start3A_34] : memref<3x128x256xf32, #tpu.memory_space<vmem>> -> memref<1x128x256xf32, #tpu.memory_space<vmem>>
    %dma_start3A_36 = tpu.memref_squeeze %dma_start3A_35 : memref<1x128x256xf32, #tpu.memory_space<vmem>> -> memref<128x256xf32, #tpu.memory_space<vmem>>
    %dma_start3A_37 = arith.constant 256 : i32
    %dma_start3A_38 = arith.constant 0 : i32
    %dma_start3A_39 = tpu.memref_slice %arg2[%dma_start3A_37, %dma_start3A_38] : memref<8200x256xf32, #tpu.memory_space<hbm>> -> memref<128x256xf32, #tpu.memory_space<hbm>>
    %dma_start3A_40 = arith.constant 0 : i32
    %dma_start3A_41 = arith.constant 0 : i32
    %dma_start3A_42 = tpu.memref_slice %arg6[%dma_start3A_32, %dma_start3A_40, %dma_start3A_41] : memref<3x128x256xf32, #tpu.memory_space<vmem>> -> memref<1x128x256xf32, #tpu.memory_space<vmem>>
    %dma_start3A_43 = tpu.memref_squeeze %dma_start3A_42 : memref<1x128x256xf32, #tpu.memory_space<vmem>> -> memref<128x256xf32, #tpu.memory_space<vmem>>
    %dma_start3A_44 = arith.constant 256 : i32
    %dma_start3A_45 = arith.constant 0 : i32
    %dma_start3A_46 = tpu.memref_slice %arg2[%dma_start3A_44, %dma_start3A_45] : memref<8200x256xf32, #tpu.memory_space<hbm>> -> memref<128x256xf32, #tpu.memory_space<hbm>>
    tpu.enqueue_dma source(%dma_start3A_46 : memref<128x256xf32, #tpu.memory_space<hbm>>) target(%dma_start3A_43 : memref<128x256xf32, #tpu.memory_space<vmem>>) target_semaphore(%arg9 : memref<!tpu.dma_semaphore, #tpu.memory_space<semaphore_mem>>)
    %dma_wait3A = arith.constant 0 : i32
    %dma_wait3A_47 = arith.constant 0 : i32
    %dma_wait3A_48 = arith.constant 0 : i32
    %dma_wait3A_49 = tpu.memref_slice %arg6[%dma_wait3A, %dma_wait3A_47, %dma_wait3A_48] : memref<3x128x256xf32, #tpu.memory_space<vmem>> -> memref<1x128x256xf32, #tpu.memory_space<vmem>>
    %dma_wait3A_50 = tpu.memref_squeeze %dma_wait3A_49 : memref<1x128x256xf32, #tpu.memory_space<vmem>> -> memref<128x256xf32, #tpu.memory_space<vmem>>
    %dma_wait3A_51 = arith.constant 0 : i32
    %dma_wait3A_52 = arith.constant 0 : i32
    %dma_wait3A_53 = tpu.memref_slice %arg2[%dma_wait3A_51, %dma_wait3A_52] : memref<8200x256xf32, #tpu.memory_space<hbm>> -> memref<128x256xf32, #tpu.memory_space<hbm>>
    %dma_wait3A_54 = arith.constant 0 : i32
    %dma_wait3A_55 = arith.constant 0 : i32
    %dma_wait3A_56 = tpu.memref_slice %arg6[%dma_wait3A, %dma_wait3A_54, %dma_wait3A_55] : memref<3x128x256xf32, #tpu.memory_space<vmem>> -> memref<1x128x256xf32, #tpu.memory_space<vmem>>
    %dma_wait3A_57 = tpu.memref_squeeze %dma_wait3A_56 : memref<1x128x256xf32, #tpu.memory_space<vmem>> -> memref<128x256xf32, #tpu.memory_space<vmem>>
    %dma_wait3A_58 = arith.constant 0 : i32
    %dma_wait3A_59 = arith.constant 0 : i32
    %dma_wait3A_60 = tpu.memref_slice %arg2[%dma_wait3A_58, %dma_wait3A_59] : memref<8200x256xf32, #tpu.memory_space<hbm>> -> memref<128x256xf32, #tpu.memory_space<hbm>>
    tpu.wait_dma2 semaphore(%arg7 : memref<!tpu.dma_semaphore, #tpu.memory_space<semaphore_mem>>) src(%dma_wait3A_60 : memref<128x256xf32, #tpu.memory_space<hbm>>) dst(%dma_wait3A_57 : memref<128x256xf32, #tpu.memory_space<vmem>>)
    %add3A_61 = arith.constant 0 : i32
    %add3A_62 = arith.addi %mul3A_2, %add3A_61 : i32
    %dma_start3A_63 = arith.constant 0 : i32
    %dma_start3A_64 = arith.constant 0 : i32
    %dma_start3A_65 = arith.constant 0 : i32
    %dma_start3A_66 = tpu.memref_slice %arg6[%dma_start3A_63, %dma_start3A_64, %dma_start3A_65] : memref<3x128x256xf32, #tpu.memory_space<vmem>> -> memref<1x128x256xf32, #tpu.memory_space<vmem>>
    %dma_start3A_67 = tpu.memref_squeeze %dma_start3A_66 : memref<1x128x256xf32, #tpu.memory_space<vmem>> -> memref<128x256xf32, #tpu.memory_space<vmem>>
    %dma_start3A_68 = arith.constant 0 : i32
    %dma_start3A_69 = tpu.memref_slice %arg4[%add3A_62, %dma_start3A_68] : memref<32768x256xf32, #tpu.memory_space<hbm>> -> memref<128x256xf32, #tpu.memory_space<hbm>>
    %dma_start3A_70 = arith.constant 0 : i32
    %dma_start3A_71 = tpu.memref_slice %arg4[%add3A_62, %dma_start3A_70] : memref<32768x256xf32, #tpu.memory_space<hbm>> -> memref<128x256xf32, #tpu.memory_space<hbm>>
    %dma_start3A_72 = arith.constant 0 : i32
    %dma_start3A_73 = arith.constant 0 : i32
    %dma_start3A_74 = tpu.memref_slice %arg6[%dma_start3A_63, %dma_start3A_72, %dma_start3A_73] : memref<3x128x256xf32, #tpu.memory_space<vmem>> -> memref<1x128x256xf32, #tpu.memory_space<vmem>>
    %dma_start3A_75 = tpu.memref_squeeze %dma_start3A_74 : memref<1x128x256xf32, #tpu.memory_space<vmem>> -> memref<128x256xf32, #tpu.memory_space<vmem>>
    tpu.enqueue_dma source(%dma_start3A_75 : memref<128x256xf32, #tpu.memory_space<vmem>>) target(%dma_start3A_71 : memref<128x256xf32, #tpu.memory_space<hbm>>) target_semaphore(%arg10 : memref<!tpu.dma_semaphore, #tpu.memory_space<semaphore_mem>>)
    %dma_wait3A_76 = arith.constant 0 : i32
    %dma_wait3A_77 = arith.constant 0 : i32
    %dma_wait3A_78 = arith.constant 0 : i32
    %dma_wait3A_79 = tpu.memref_slice %arg6[%dma_wait3A_76, %dma_wait3A_77, %dma_wait3A_78] : memref<3x128x256xf32, #tpu.memory_space<vmem>> -> memref<1x128x256xf32, #tpu.memory_space<vmem>>
    %dma_wait3A_80 = tpu.memref_squeeze %dma_wait3A_79 : memref<1x128x256xf32, #tpu.memory_space<vmem>> -> memref<128x256xf32, #tpu.memory_space<vmem>>
    %dma_wait3A_81 = arith.constant 0 : i32
    %dma_wait3A_82 = tpu.memref_slice %arg4[%add3A_62, %dma_wait3A_81] : memref<32768x256xf32, #tpu.memory_space<hbm>> -> memref<128x256xf32, #tpu.memory_space<hbm>>
    %dma_wait3A_83 = arith.constant 0 : i32
    %dma_wait3A_84 = tpu.memref_slice %arg4[%add3A_62, %dma_wait3A_83] : memref<32768x256xf32, #tpu.memory_space<hbm>> -> memref<128x256xf32, #tpu.memory_space<hbm>>
    %dma_wait3A_85 = arith.constant 0 : i32
    %dma_wait3A_86 = arith.constant 0 : i32
    %dma_wait3A_87 = tpu.memref_slice %arg6[%dma_wait3A_76, %dma_wait3A_85, %dma_wait3A_86] : memref<3x128x256xf32, #tpu.memory_space<vmem>> -> memref<1x128x256xf32, #tpu.memory_space<vmem>>
    %dma_wait3A_88 = tpu.memref_squeeze %dma_wait3A_87 : memref<1x128x256xf32, #tpu.memory_space<vmem>> -> memref<128x256xf32, #tpu.memory_space<vmem>>
    tpu.wait_dma2 semaphore(%arg10 : memref<!tpu.dma_semaphore, #tpu.memory_space<semaphore_mem>>) src(%dma_wait3A_88 : memref<128x256xf32, #tpu.memory_space<vmem>>) dst(%dma_wait3A_84 : memref<128x256xf32, #tpu.memory_space<hbm>>)
    %dma_start3A_89 = arith.constant 0 : i32
    %dma_start3A_90 = arith.constant 0 : i32
    %dma_start3A_91 = arith.constant 0 : i32
    %dma_start3A_92 = tpu.memref_slice %arg6[%dma_start3A_89, %dma_start3A_90, %dma_start3A_91] : memref<3x128x256xf32, #tpu.memory_space<vmem>> -> memref<1x128x256xf32, #tpu.memory_space<vmem>>
    %dma_start3A_93 = tpu.memref_squeeze %dma_start3A_92 : memref<1x128x256xf32, #tpu.memory_space<vmem>> -> memref<128x256xf32, #tpu.memory_space<vmem>>
    %dma_start3A_94 = arith.constant 384 : i32
    %dma_start3A_95 = arith.constant 0 : i32
    %dma_start3A_96 = tpu.memref_slice %arg2[%dma_start3A_94, %dma_start3A_95] : memref<8200x256xf32, #tpu.memory_space<hbm>> -> memref<128x256xf32, #tpu.memory_space<hbm>>
    %dma_start3A_97 = arith.constant 0 : i32
    %dma_start3A_98 = arith.constant 0 : i32
    %dma_start3A_99 = tpu.memref_slice %arg6[%dma_start3A_89, %dma_start3A_97, %dma_start3A_98] : memref<3x128x256xf32, #tpu.memory_space<vmem>> -> memref<1x128x256xf32, #tpu.memory_space<vmem>>
    %dma_start3A_100 = tpu.memref_squeeze %dma_start3A_99 : memref<1x128x256xf32, #tpu.memory_space<vmem>> -> memref<128x256xf32, #tpu.memory_space<vmem>>
    %dma_start3A_101 = arith.constant 384 : i32
    %dma_start3A_102 = arith.constant 0 : i32
    %dma_start3A_103 = tpu.memref_slice %arg2[%dma_start3A_101, %dma_start3A_102] : memref<8200x256xf32, #tpu.memory_space<hbm>> -> memref<128x256xf32, #tpu.memory_space<hbm>>
    tpu.enqueue_dma source(%dma_start3A_103 : memref<128x256xf32, #tpu.memory_space<hbm>>) target(%dma_start3A_100 : memref<128x256xf32, #tpu.memory_space<vmem>>) target_semaphore(%arg7 : memref<!tpu.dma_semaphore, #tpu.memory_space<semaphore_mem>>)
    %dma_wait3A_104 = arith.constant 1 : i32
    %dma_wait3A_105 = arith.constant 0 : i32
    %dma_wait3A_106 = arith.constant 0 : i32
    %dma_wait3A_107 = tpu.memref_slice %arg6[%dma_wait3A_104, %dma_wait3A_105, %dma_wait3A_106] : memref<3x128x256xf32, #tpu.memory_space<vmem>> -> memref<1x128x256xf32, #tpu.memory_space<vmem>>
    %dma_wait3A_108 = tpu.memref_squeeze %dma_wait3A_107 : memref<1x128x256xf32, #tpu.memory_space<vmem>> -> memref<128x256xf32, #tpu.memory_space<vmem>>
    %dma_wait3A_109 = arith.constant 128 : i32
    %dma_wait3A_110 = arith.constant 0 : i32
    %dma_wait3A_111 = tpu.memref_slice %arg2[%dma_wait3A_109, %dma_wait3A_110] : memref<8200x256xf32, #tpu.memory_space<hbm>> -> memref<128x256xf32, #tpu.memory_space<hbm>>
    %dma_wait3A_112 = arith.constant 0 : i32
    %dma_wait3A_113 = arith.constant 0 : i32
    %dma_wait3A_114 = tpu.memref_slice %arg6[%dma_wait3A_104, %dma_wait3A_112, %dma_wait3A_113] : memref<3x128x256xf32, #tpu.memory_space<vmem>> -> memref<1x128x256xf32, #tpu.memory_space<vmem>>
    %dma_wait3A_115 = tpu.memref_squeeze %dma_wait3A_114 : memref<1x128x256xf32, #tpu.memory_space<vmem>> -> memref<128x256xf32, #tpu.memory_space<vmem>>
    %dma_wait3A_116 = arith.constant 128 : i32
    %dma_wait3A_117 = arith.constant 0 : i32
    %dma_wait3A_118 = tpu.memref_slice %arg2[%dma_wait3A_116, %dma_wait3A_117] : memref<8200x256xf32, #tpu.memory_space<hbm>> -> memref<128x256xf32, #tpu.memory_space<hbm>>
    tpu.wait_dma2 semaphore(%arg8 : memref<!tpu.dma_semaphore, #tpu.memory_space<semaphore_mem>>) src(%dma_wait3A_118 : memref<128x256xf32, #tpu.memory_space<hbm>>) dst(%dma_wait3A_115 : memref<128x256xf32, #tpu.memory_space<vmem>>)
    %add3A_119 = arith.constant 128 : i32
    %add3A_120 = arith.addi %mul3A_2, %add3A_119 : i32
    %dma_start3A_121 = arith.constant 1 : i32
    %dma_start3A_122 = arith.constant 0 : i32
    %dma_start3A_123 = arith.constant 0 : i32
    %dma_start3A_124 = tpu.memref_slice %arg6[%dma_start3A_121, %dma_start3A_122, %dma_start3A_123] : memref<3x128x256xf32, #tpu.memory_space<vmem>> -> memref<1x128x256xf32, #tpu.memory_space<vmem>>
    %dma_start3A_125 = tpu.memref_squeeze %dma_start3A_124 : memref<1x128x256xf32, #tpu.memory_space<vmem>> -> memref<128x256xf32, #tpu.memory_space<vmem>>
    %dma_start3A_126 = arith.constant 0 : i32
    %dma_start3A_127 = tpu.memref_slice %arg4[%add3A_120, %dma_start3A_126] : memref<32768x256xf32, #tpu.memory_space<hbm>> -> memref<128x256xf32, #tpu.memory_space<hbm>>
    %dma_start3A_128 = arith.constant 0 : i32
    %dma_start3A_129 = tpu.memref_slice %arg4[%add3A_120, %dma_start3A_128] : memref<32768x256xf32, #tpu.memory_space<hbm>> -> memref<128x256xf32, #tpu.memory_space<hbm>>
    %dma_start3A_130 = arith.constant 0 : i32
    %dma_start3A_131 = arith.constant 0 : i32
    %dma_start3A_132 = tpu.memref_slice %arg6[%dma_start3A_121, %dma_start3A_130, %dma_start3A_131] : memref<3x128x256xf32, #tpu.memory_space<vmem>> -> memref<1x128x256xf32, #tpu.memory_space<vmem>>
    %dma_start3A_133 = tpu.memref_squeeze %dma_start3A_132 : memref<1x128x256xf32, #tpu.memory_space<vmem>> -> memref<128x256xf32, #tpu.memory_space<vmem>>
    tpu.enqueue_dma source(%dma_start3A_133 : memref<128x256xf32, #tpu.memory_space<vmem>>) target(%dma_start3A_129 : memref<128x256xf32, #tpu.memory_space<hbm>>) target_semaphore(%arg11 : memref<!tpu.dma_semaphore, #tpu.memory_space<semaphore_mem>>)
    %dma_wait3A_134 = arith.constant 1 : i32
    %dma_wait3A_135 = arith.constant 0 : i32
    %dma_wait3A_136 = arith.constant 0 : i32
    %dma_wait3A_137 = tpu.memref_slice %arg6[%dma_wait3A_134, %dma_wait3A_135, %dma_wait3A_136] : memref<3x128x256xf32, #tpu.memory_space<vmem>> -> memref<1x128x256xf32, #tpu.memory_space<vmem>>
    %dma_wait3A_138 = tpu.memref_squeeze %dma_wait3A_137 : memref<1x128x256xf32, #tpu.memory_space<vmem>> -> memref<128x256xf32, #tpu.memory_space<vmem>>
    %dma_wait3A_139 = arith.constant 0 : i32
    %dma_wait3A_140 = tpu.memref_slice %arg4[%add3A_120, %dma_wait3A_139] : memref<32768x256xf32, #tpu.memory_space<hbm>> -> memref<128x256xf32, #tpu.memory_space<hbm>>
    %dma_wait3A_141 = arith.constant 0 : i32
    %dma_wait3A_142 = tpu.memref_slice %arg4[%add3A_120, %dma_wait3A_141] : memref<32768x256xf32, #tpu.memory_space<hbm>> -> memref<128x256xf32, #tpu.memory_space<hbm>>
    %dma_wait3A_143 = arith.constant 0 : i32
    %dma_wait3A_144 = arith.constant 0 : i32
    %dma_wait3A_145 = tpu.memref_slice %arg6[%dma_wait3A_134, %dma_wait3A_143, %dma_wait3A_144] : memref<3x128x256xf32, #tpu.memory_space<vmem>> -> memref<1x128x256xf32, #tpu.memory_space<vmem>>
    %dma_wait3A_146 = tpu.memref_squeeze %dma_wait3A_145 : memref<1x128x256xf32, #tpu.memory_space<vmem>> -> memref<128x256xf32, #tpu.memory_space<vmem>>
    tpu.wait_dma2 semaphore(%arg11 : memref<!tpu.dma_semaphore, #tpu.memory_space<semaphore_mem>>) src(%dma_wait3A_146 : memref<128x256xf32, #tpu.memory_space<vmem>>) dst(%dma_wait3A_142 : memref<128x256xf32, #tpu.memory_space<hbm>>)
    %dma_start3A_147 = arith.constant 1 : i32
    %dma_start3A_148 = arith.constant 0 : i32
    %dma_start3A_149 = arith.constant 0 : i32
    %dma_start3A_150 = tpu.memref_slice %arg6[%dma_start3A_147, %dma_start3A_148, %dma_start3A_149] : memref<3x128x256xf32, #tpu.memory_space<vmem>> -> memref<1x128x256xf32, #tpu.memory_space<vmem>>
    %dma_start3A_151 = tpu.memref_squeeze %dma_start3A_150 : memref<1x128x256xf32, #tpu.memory_space<vmem>> -> memref<128x256xf32, #tpu.memory_space<vmem>>
    %dma_start3A_152 = arith.constant 512 : i32
    %dma_start3A_153 = arith.constant 0 : i32
    %dma_start3A_154 = tpu.memref_slice %arg2[%dma_start3A_152, %dma_start3A_153] : memref<8200x256xf32, #tpu.memory_space<hbm>> -> memref<128x256xf32, #tpu.memory_space<hbm>>
    %dma_start3A_155 = arith.constant 0 : i32
    %dma_start3A_156 = arith.constant 0 : i32
    %dma_start3A_157 = tpu.memref_slice %arg6[%dma_start3A_147, %dma_start3A_155, %dma_start3A_156] : memref<3x128x256xf32, #tpu.memory_space<vmem>> -> memref<1x128x256xf32, #tpu.memory_space<vmem>>
    %dma_start3A_158 = tpu.memref_squeeze %dma_start3A_157 : memref<1x128x256xf32, #tpu.memory_space<vmem>> -> memref<128x256xf32, #tpu.memory_space<vmem>>
    %dma_start3A_159 = arith.constant 512 : i32
    %dma_start3A_160 = arith.constant 0 : i32
    %dma_start3A_161 = tpu.memref_slice %arg2[%dma_start3A_159, %dma_start3A_160] : memref<8200x256xf32, #tpu.memory_space<hbm>> -> memref<128x256xf32, #tpu.memory_space<hbm>>
    tpu.enqueue_dma source(%dma_start3A_161 : memref<128x256xf32, #tpu.memory_space<hbm>>) target(%dma_start3A_158 : memref<128x256xf32, #tpu.memory_space<vmem>>) target_semaphore(%arg8 : memref<!tpu.dma_semaphore, #tpu.memory_space<semaphore_mem>>)
    %dma_wait3A_162 = arith.constant 2 : i32
    %dma_wait3A_163 = arith.constant 0 : i32
    %dma_wait3A_164 = arith.constant 0 : i32
    %dma_wait3A_165 = tpu.memref_slice %arg6[%dma_wait3A_162, %dma_wait3A_163, %dma_wait3A_164] : memref<3x128x256xf32, #tpu.memory_space<vmem>> -> memref<1x128x256xf32, #tpu.memory_space<vmem>>
    %dma_wait3A_166 = tpu.memref_squeeze %dma_wait3A_165 : memref<1x128x256xf32, #tpu.memory_space<vmem>> -> memref<128x256xf32, #tpu.memory_space<vmem>>
    %dma_wait3A_167 = arith.constant 256 : i32
    %dma_wait3A_168 = arith.constant 0 : i32
    %dma_wait3A_169 = tpu.memref_slice %arg2[%dma_wait3A_167, %dma_wait3A_168] : memref<8200x256xf32, #tpu.memory_space<hbm>> -> memref<128x256xf32, #tpu.memory_space<hbm>>
    %dma_wait3A_170 = arith.constant 0 : i32
    %dma_wait3A_171 = arith.constant 0 : i32
    %dma_wait3A_172 = tpu.memref_slice %arg6[%dma_wait3A_162, %dma_wait3A_170, %dma_wait3A_171] : memref<3x128x256xf32, #tpu.memory_space<vmem>> -> memref<1x128x256xf32, #tpu.memory_space<vmem>>
    %dma_wait3A_173 = tpu.memref_squeeze %dma_wait3A_172 : memref<1x128x256xf32, #tpu.memory_space<vmem>> -> memref<128x256xf32, #tpu.memory_space<vmem>>
    %dma_wait3A_174 = arith.constant 256 : i32
    %dma_wait3A_175 = arith.constant 0 : i32
    %dma_wait3A_176 = tpu.memref_slice %arg2[%dma_wait3A_174, %dma_wait3A_175] : memref<8200x256xf32, #tpu.memory_space<hbm>> -> memref<128x256xf32, #tpu.memory_space<hbm>>
    tpu.wait_dma2 semaphore(%arg9 : memref<!tpu.dma_semaphore, #tpu.memory_space<semaphore_mem>>) src(%dma_wait3A_176 : memref<128x256xf32, #tpu.memory_space<hbm>>) dst(%dma_wait3A_173 : memref<128x256xf32, #tpu.memory_space<vmem>>)
    %add3A_177 = arith.constant 256 : i32
    %add3A_178 = arith.addi %mul3A_2, %add3A_177 : i32
    %dma_start3A_179 = arith.constant 2 : i32
    %dma_start3A_180 = arith.constant 0 : i32
    %dma_start3A_181 = arith.constant 0 : i32
    %dma_start3A_182 = tpu.memref_slice %arg6[%dma_start3A_179, %dma_start3A_180, %dma_start3A_181] : memref<3x128x256xf32, #tpu.memory_space<vmem>> -> memref<1x128x256xf32, #tpu.memory_space<vmem>>
    %dma_start3A_183 = tpu.memref_squeeze %dma_start3A_182 : memref<1x128x256xf32, #tpu.memory_space<vmem>> -> memref<128x256xf32, #tpu.memory_space<vmem>>
    %dma_start3A_184 = arith.constant 0 : i32
    %dma_start3A_185 = tpu.memref_slice %arg4[%add3A_178, %dma_start3A_184] : memref<32768x256xf32, #tpu.memory_space<hbm>> -> memref<128x256xf32, #tpu.memory_space<hbm>>
    %dma_start3A_186 = arith.constant 0 : i32
    %dma_start3A_187 = tpu.memref_slice %arg4[%add3A_178, %dma_start3A_186] : memref<32768x256xf32, #tpu.memory_space<hbm>> -> memref<128x256xf32, #tpu.memory_space<hbm>>
    %dma_start3A_188 = arith.constant 0 : i32
    %dma_start3A_189 = arith.constant 0 : i32
    %dma_start3A_190 = tpu.memref_slice %arg6[%dma_start3A_179, %dma_start3A_188, %dma_start3A_189] : memref<3x128x256xf32, #tpu.memory_space<vmem>> -> memref<1x128x256xf32, #tpu.memory_space<vmem>>
    %dma_start3A_191 = tpu.memref_squeeze %dma_start3A_190 : memref<1x128x256xf32, #tpu.memory_space<vmem>> -> memref<128x256xf32, #tpu.memory_space<vmem>>
    tpu.enqueue_dma source(%dma_start3A_191 : memref<128x256xf32, #tpu.memory_space<vmem>>) target(%dma_start3A_187 : memref<128x256xf32, #tpu.memory_space<hbm>>) target_semaphore(%arg12 : memref<!tpu.dma_semaphore, #tpu.memory_space<semaphore_mem>>)
    %dma_wait3A_192 = arith.constant 2 : i32
    %dma_wait3A_193 = arith.constant 0 : i32
    %dma_wait3A_194 = arith.constant 0 : i32
    %dma_wait3A_195 = tpu.memref_slice %arg6[%dma_wait3A_192, %dma_wait3A_193, %dma_wait3A_194] : memref<3x128x256xf32, #tpu.memory_space<vmem>> -> memref<1x128x256xf32, #tpu.memory_space<vmem>>
    %dma_wait3A_196 = tpu.memref_squeeze %dma_wait3A_195 : memref<1x128x256xf32, #tpu.memory_space<vmem>> -> memref<128x256xf32, #tpu.memory_space<vmem>>
    %dma_wait3A_197 = arith.constant 0 : i32
    %dma_wait3A_198 = tpu.memref_slice %arg4[%add3A_178, %dma_wait3A_197] : memref<32768x256xf32, #tpu.memory_space<hbm>> -> memref<128x256xf32, #tpu.memory_space<hbm>>
    %dma_wait3A_199 = arith.constant 0 : i32
    %dma_wait3A_200 = tpu.memref_slice %arg4[%add3A_178, %dma_wait3A_199] : memref<32768x256xf32, #tpu.memory_space<hbm>> -> memref<128x256xf32, #tpu.memory_space<hbm>>
    %dma_wait3A_201 = arith.constant 0 : i32
    %dma_wait3A_202 = arith.constant 0 : i32
    %dma_wait3A_203 = tpu.memref_slice %arg6[%dma_wait3A_192, %dma_wait3A_201, %dma_wait3A_202] : memref<3x128x256xf32, #tpu.memory_space<vmem>> -> memref<1x128x256xf32, #tpu.memory_space<vmem>>
    %dma_wait3A_204 = tpu.memref_squeeze %dma_wait3A_203 : memref<1x128x256xf32, #tpu.memory_space<vmem>> -> memref<128x256xf32, #tpu.memory_space<vmem>>
    tpu.wait_dma2 semaphore(%arg12 : memref<!tpu.dma_semaphore, #tpu.memory_space<semaphore_mem>>) src(%dma_wait3A_204 : memref<128x256xf32, #tpu.memory_space<vmem>>) dst(%dma_wait3A_200 : memref<128x256xf32, #tpu.memory_space<hbm>>)
    %dma_start3A_205 = arith.constant 2 : i32
    %dma_start3A_206 = arith.constant 0 : i32
    %dma_start3A_207 = arith.constant 0 : i32
    %dma_start3A_208 = tpu.memref_slice %arg6[%dma_start3A_205, %dma_start3A_206, %dma_start3A_207] : memref<3x128x256xf32, #tpu.memory_space<vmem>> -> memref<1x128x256xf32, #tpu.memory_space<vmem>>
    %dma_start3A_209 = tpu.memref_squeeze %dma_start3A_208 : memref<1x128x256xf32, #tpu.memory_space<vmem>> -> memref<128x256xf32, #tpu.memory_space<vmem>>
    %dma_start3A_210 = arith.constant 640 : i32
    %dma_start3A_211 = arith.constant 0 : i32
    %dma_start3A_212 = tpu.memref_slice %arg2[%dma_start3A_210, %dma_start3A_211] : memref<8200x256xf32, #tpu.memory_space<hbm>> -> memref<128x256xf32, #tpu.memory_space<hbm>>
    %dma_start3A_213 = arith.constant 0 : i32
    %dma_start3A_214 = arith.constant 0 : i32
    %dma_start3A_215 = tpu.memref_slice %arg6[%dma_start3A_205, %dma_start3A_213, %dma_start3A_214] : memref<3x128x256xf32, #tpu.memory_space<vmem>> -> memref<1x128x256xf32, #tpu.memory_space<vmem>>
    %dma_start3A_216 = tpu.memref_squeeze %dma_start3A_215 : memref<1x128x256xf32, #tpu.memory_space<vmem>> -> memref<128x256xf32, #tpu.memory_space<vmem>>
    %dma_start3A_217 = arith.constant 640 : i32
    %dma_start3A_218 = arith.constant 0 : i32
    %dma_start3A_219 = tpu.memref_slice %arg2[%dma_start3A_217, %dma_start3A_218] : memref<8200x256xf32, #tpu.memory_space<hbm>> -> memref<128x256xf32, #tpu.memory_space<hbm>>
    tpu.enqueue_dma source(%dma_start3A_219 : memref<128x256xf32, #tpu.memory_space<hbm>>) target(%dma_start3A_216 : memref<128x256xf32, #tpu.memory_space<vmem>>) target_semaphore(%arg9 : memref<!tpu.dma_semaphore, #tpu.memory_space<semaphore_mem>>)
    %dma_wait3A_220 = arith.constant 0 : i32
    %dma_wait3A_221 = arith.constant 0 : i32
    %dma_wait3A_222 = arith.constant 0 : i32
    %dma_wait3A_223 = tpu.memref_slice %arg6[%dma_wait3A_220, %dma_wait3A_221, %dma_wait3A_222] : memref<3x128x256xf32, #tpu.memory_space<vmem>> -> memref<1x128x256xf32, #tpu.memory_space<vmem>>
    %dma_wait3A_224 = tpu.memref_squeeze %dma_wait3A_223 : memref<1x128x256xf32, #tpu.memory_space<vmem>> -> memref<128x256xf32, #tpu.memory_space<vmem>>
    %dma_wait3A_225 = arith.constant 384 : i32
    %dma_wait3A_226 = arith.constant 0 : i32
    %dma_wait3A_227 = tpu.memref_slice %arg2[%dma_wait3A_225, %dma_wait3A_226] : memref<8200x256xf32, #tpu.memory_space<hbm>> -> memref<128x256xf32, #tpu.memory_space<hbm>>
    %dma_wait3A_228 = arith.constant 0 : i32
    %dma_wait3A_229 = arith.constant 0 : i32
    %dma_wait3A_230 = tpu.memref_slice %arg6[%dma_wait3A_220, %dma_wait3A_228, %dma_wait3A_229] : memref<3x128x256xf32, #tpu.memory_space<vmem>> -> memref<1x128x256xf32, #tpu.memory_space<vmem>>
    %dma_wait3A_231 = tpu.memref_squeeze %dma_wait3A_230 : memref<1x128x256xf32, #tpu.memory_space<vmem>> -> memref<128x256xf32, #tpu.memory_space<vmem>>
    %dma_wait3A_232 = arith.constant 384 : i32
    %dma_wait3A_233 = arith.constant 0 : i32
    %dma_wait3A_234 = tpu.memref_slice %arg2[%dma_wait3A_232, %dma_wait3A_233] : memref<8200x256xf32, #tpu.memory_space<hbm>> -> memref<128x256xf32, #tpu.memory_space<hbm>>
    tpu.wait_dma2 semaphore(%arg7 : memref<!tpu.dma_semaphore, #tpu.memory_space<semaphore_mem>>) src(%dma_wait3A_234 : memref<128x256xf32, #tpu.memory_space<hbm>>) dst(%dma_wait3A_231 : memref<128x256xf32, #tpu.memory_space<vmem>>)
    %add3A_235 = arith.constant 384 : i32
    %add3A_236 = arith.addi %mul3A_2, %add3A_235 : i32
    %dma_start3A_237 = arith.constant 0 : i32
    %dma_start3A_238 = arith.constant 0 : i32
    %dma_start3A_239 = arith.constant 0 : i32
    %dma_start3A_240 = tpu.memref_slice %arg6[%dma_start3A_237, %dma_start3A_238, %dma_start3A_239] : memref<3x128x256xf32, #tpu.memory_space<vmem>> -> memref<1x128x256xf32, #tpu.memory_space<vmem>>
    %dma_start3A_241 = tpu.memref_squeeze %dma_start3A_240 : memref<1x128x256xf32, #tpu.memory_space<vmem>> -> memref<128x256xf32, #tpu.memory_space<vmem>>
    %dma_start3A_242 = arith.constant 0 : i32
    %dma_start3A_243 = tpu.memref_slice %arg4[%add3A_236, %dma_start3A_242] : memref<32768x256xf32, #tpu.memory_space<hbm>> -> memref<128x256xf32, #tpu.memory_space<hbm>>
    %dma_start3A_244 = arith.constant 0 : i32
    %dma_start3A_245 = tpu.memref_slice %arg4[%add3A_236, %dma_start3A_244] : memref<32768x256xf32, #tpu.memory_space<hbm>> -> memref<128x256xf32, #tpu.memory_space<hbm>>
    %dma_start3A_246 = arith.constant 0 : i32
    %dma_start3A_247 = arith.constant 0 : i32
    %dma_start3A_248 = tpu.memref_slice %arg6[%dma_start3A_237, %dma_start3A_246, %dma_start3A_247] : memref<3x128x256xf32, #tpu.memory_space<vmem>> -> memref<1x128x256xf32, #tpu.memory_space<vmem>>
    %dma_start3A_249 = tpu.memref_squeeze %dma_start3A_248 : memref<1x128x256xf32, #tpu.memory_space<vmem>> -> memref<128x256xf32, #tpu.memory_space<vmem>>
    tpu.enqueue_dma source(%dma_start3A_249 : memref<128x256xf32, #tpu.memory_space<vmem>>) target(%dma_start3A_245 : memref<128x256xf32, #tpu.memory_space<hbm>>) target_semaphore(%arg10 : memref<!tpu.dma_semaphore, #tpu.memory_space<semaphore_mem>>)
    %dma_wait3A_250 = arith.constant 0 : i32
    %dma_wait3A_251 = arith.constant 0 : i32
    %dma_wait3A_252 = arith.constant 0 : i32
    %dma_wait3A_253 = tpu.memref_slice %arg6[%dma_wait3A_250, %dma_wait3A_251, %dma_wait3A_252] : memref<3x128x256xf32, #tpu.memory_space<vmem>> -> memref<1x128x256xf32, #tpu.memory_space<vmem>>
    %dma_wait3A_254 = tpu.memref_squeeze %dma_wait3A_253 : memref<1x128x256xf32, #tpu.memory_space<vmem>> -> memref<128x256xf32, #tpu.memory_space<vmem>>
    %dma_wait3A_255 = arith.constant 0 : i32
    %dma_wait3A_256 = tpu.memref_slice %arg4[%add3A_236, %dma_wait3A_255] : memref<32768x256xf32, #tpu.memory_space<hbm>> -> memref<128x256xf32, #tpu.memory_space<hbm>>
    %dma_wait3A_257 = arith.constant 0 : i32
    %dma_wait3A_258 = tpu.memref_slice %arg4[%add3A_236, %dma_wait3A_257] : memref<32768x256xf32, #tpu.memory_space<hbm>> -> memref<128x256xf32, #tpu.memory_space<hbm>>
    %dma_wait3A_259 = arith.constant 0 : i32
    %dma_wait3A_260 = arith.constant 0 : i32
    %dma_wait3A_261 = tpu.memref_slice %arg6[%dma_wait3A_250, %dma_wait3A_259, %dma_wait3A_260] : memref<3x128x256xf32, #tpu.memory_space<vmem>> -> memref<1x128x256xf32, #tpu.memory_space<vmem>>
    %dma_wait3A_262 = tpu.memref_squeeze %dma_wait3A_261 : memref<1x128x256xf32, #tpu.memory_space<vmem>> -> memref<128x256xf32, #tpu.memory_space<vmem>>
    tpu.wait_dma2 semaphore(%arg10 : memref<!tpu.dma_semaphore, #tpu.memory_space<semaphore_mem>>) src(%dma_wait3A_262 : memref<128x256xf32, #tpu.memory_space<vmem>>) dst(%dma_wait3A_258 : memref<128x256xf32, #tpu.memory_space<hbm>>)
    %dma_start3A_263 = arith.constant 0 : i32
    %dma_start3A_264 = arith.constant 0 : i32
    %dma_start3A_265 = arith.constant 0 : i32
    %dma_start3A_266 = tpu.memref_slice %arg6[%dma_start3A_263, %dma_start3A_264, %dma_start3A_265] : memref<3x128x256xf32, #tpu.memory_space<vmem>> -> memref<1x128x256xf32, #tpu.memory_space<vmem>>
    %dma_start3A_267 = tpu.memref_squeeze %dma_start3A_266 : memref<1x128x256xf32, #tpu.memory_space<vmem>> -> memref<128x256xf32, #tpu.memory_space<vmem>>
    %dma_start3A_268 = arith.constant 768 : i32
    %dma_start3A_269 = arith.constant 0 : i32
    %dma_start3A_270 = tpu.memref_slice %arg2[%dma_start3A_268, %dma_start3A_269] : memref<8200x256xf32, #tpu.memory_space<hbm>> -> memref<128x256xf32, #tpu.memory_space<hbm>>
    %dma_start3A_271 = arith.constant 0 : i32
    %dma_start3A_272 = arith.constant 0 : i32
    %dma_start3A_273 = tpu.memref_slice %arg6[%dma_start3A_263, %dma_start3A_271, %dma_start3A_272] : memref<3x128x256xf32, #tpu.memory_space<vmem>> -> memref<1x128x256xf32, #tpu.memory_space<vmem>>
    %dma_start3A_274 = tpu.memref_squeeze %dma_start3A_273 : memref<1x128x256xf32, #tpu.memory_space<vmem>> -> memref<128x256xf32, #tpu.memory_space<vmem>>
    %dma_start3A_275 = arith.constant 768 : i32
    %dma_start3A_276 = arith.constant 0 : i32
    %dma_start3A_277 = tpu.memref_slice %arg2[%dma_start3A_275, %dma_start3A_276] : memref<8200x256xf32, #tpu.memory_space<hbm>> -> memref<128x256xf32, #tpu.memory_space<hbm>>
    tpu.enqueue_dma source(%dma_start3A_277 : memref<128x256xf32, #tpu.memory_space<hbm>>) target(%dma_start3A_274 : memref<128x256xf32, #tpu.memory_space<vmem>>) target_semaphore(%arg7 : memref<!tpu.dma_semaphore, #tpu.memory_space<semaphore_mem>>)
    %dma_wait3A_278 = arith.constant 1 : i32
    %dma_wait3A_279 = arith.constant 0 : i32
    %dma_wait3A_280 = arith.constant 0 : i32
    %dma_wait3A_281 = tpu.memref_slice %arg6[%dma_wait3A_278, %dma_wait3A_279, %dma_wait3A_280] : memref<3x128x256xf32, #tpu.memory_space<vmem>> -> memref<1x128x256xf32, #tpu.memory_space<vmem>>
    %dma_wait3A_282 = tpu.memref_squeeze %dma_wait3A_281 : memref<1x128x256xf32, #tpu.memory_space<vmem>> -> memref<128x256xf32, #tpu.memory_space<vmem>>
    %dma_wait3A_283 = arith.constant 512 : i32
    %dma_wait3A_284 = arith.constant 0 : i32
    %dma_wait3A_285 = tpu.memref_slice %arg2[%dma_wait3A_283, %dma_wait3A_284] : memref<8200x256xf32, #tpu.memory_space<hbm>> -> memref<128x256xf32, #tpu.memory_space<hbm>>
    %dma_wait3A_286 = arith.constant 0 : i32
    %dma_wait3A_287 = arith.constant 0 : i32
    %dma_wait3A_288 = tpu.memref_slice %arg6[%dma_wait3A_278, %dma_wait3A_286, %dma_wait3A_287] : memref<3x128x256xf32, #tpu.memory_space<vmem>> -> memref<1x128x256xf32, #tpu.memory_space<vmem>>
    %dma_wait3A_289 = tpu.memref_squeeze %dma_wait3A_288 : memref<1x128x256xf32, #tpu.memory_space<vmem>> -> memref<128x256xf32, #tpu.memory_space<vmem>>
    %dma_wait3A_290 = arith.constant 512 : i32
    %dma_wait3A_291 = arith.constant 0 : i32
    %dma_wait3A_292 = tpu.memref_slice %arg2[%dma_wait3A_290, %dma_wait3A_291] : memref<8200x256xf32, #tpu.memory_space<hbm>> -> memref<128x256xf32, #tpu.memory_space<hbm>>
    tpu.wait_dma2 semaphore(%arg8 : memref<!tpu.dma_semaphore, #tpu.memory_space<semaphore_mem>>) src(%dma_wait3A_292 : memref<128x256xf32, #tpu.memory_space<hbm>>) dst(%dma_wait3A_289 : memref<128x256xf32, #tpu.memory_space<vmem>>)
    %add3A_293 = arith.constant 512 : i32
    %add3A_294 = arith.addi %mul3A_2, %add3A_293 : i32
    %dma_start3A_295 = arith.constant 1 : i32
    %dma_start3A_296 = arith.constant 0 : i32
    %dma_start3A_297 = arith.constant 0 : i32
    %dma_start3A_298 = tpu.memref_slice %arg6[%dma_start3A_295, %dma_start3A_296, %dma_start3A_297] : memref<3x128x256xf32, #tpu.memory_space<vmem>> -> memref<1x128x256xf32, #tpu.memory_space<vmem>>
    %dma_start3A_299 = tpu.memref_squeeze %dma_start3A_298 : memref<1x128x256xf32, #tpu.memory_space<vmem>> -> memref<128x256xf32, #tpu.memory_space<vmem>>
    %dma_start3A_300 = arith.constant 0 : i32
    %dma_start3A_301 = tpu.memref_slice %arg4[%add3A_294, %dma_start3A_300] : memref<32768x256xf32, #tpu.memory_space<hbm>> -> memref<128x256xf32, #tpu.memory_space<hbm>>
    %dma_start3A_302 = arith.constant 0 : i32
    %dma_start3A_303 = tpu.memref_slice %arg4[%add3A_294, %dma_start3A_302] : memref<32768x256xf32, #tpu.memory_space<hbm>> -> memref<128x256xf32, #tpu.memory_space<hbm>>
    %dma_start3A_304 = arith.constant 0 : i32
    %dma_start3A_305 = arith.constant 0 : i32
    %dma_start3A_306 = tpu.memref_slice %arg6[%dma_start3A_295, %dma_start3A_304, %dma_start3A_305] : memref<3x128x256xf32, #tpu.memory_space<vmem>> -> memref<1x128x256xf32, #tpu.memory_space<vmem>>
    %dma_start3A_307 = tpu.memref_squeeze %dma_start3A_306 : memref<1x128x256xf32, #tpu.memory_space<vmem>> -> memref<128x256xf32, #tpu.memory_space<vmem>>
    tpu.enqueue_dma source(%dma_start3A_307 : memref<128x256xf32, #tpu.memory_space<vmem>>) target(%dma_start3A_303 : memref<128x256xf32, #tpu.memory_space<hbm>>) target_semaphore(%arg11 : memref<!tpu.dma_semaphore, #tpu.memory_space<semaphore_mem>>)
    %dma_wait3A_308 = arith.constant 1 : i32
    %dma_wait3A_309 = arith.constant 0 : i32
    %dma_wait3A_310 = arith.constant 0 : i32
    %dma_wait3A_311 = tpu.memref_slice %arg6[%dma_wait3A_308, %dma_wait3A_309, %dma_wait3A_310] : memref<3x128x256xf32, #tpu.memory_space<vmem>> -> memref<1x128x256xf32, #tpu.memory_space<vmem>>
    %dma_wait3A_312 = tpu.memref_squeeze %dma_wait3A_311 : memref<1x128x256xf32, #tpu.memory_space<vmem>> -> memref<128x256xf32, #tpu.memory_space<vmem>>
    %dma_wait3A_313 = arith.constant 0 : i32
    %dma_wait3A_314 = tpu.memref_slice %arg4[%add3A_294, %dma_wait3A_313] : memref<32768x256xf32, #tpu.memory_space<hbm>> -> memref<128x256xf32, #tpu.memory_space<hbm>>
    %dma_wait3A_315 = arith.constant 0 : i32
    %dma_wait3A_316 = tpu.memref_slice %arg4[%add3A_294, %dma_wait3A_315] : memref<32768x256xf32, #tpu.memory_space<hbm>> -> memref<128x256xf32, #tpu.memory_space<hbm>>
    %dma_wait3A_317 = arith.constant 0 : i32
    %dma_wait3A_318 = arith.constant 0 : i32
    %dma_wait3A_319 = tpu.memref_slice %arg6[%dma_wait3A_308, %dma_wait3A_317, %dma_wait3A_318] : memref<3x128x256xf32, #tpu.memory_space<vmem>> -> memref<1x128x256xf32, #tpu.memory_space<vmem>>
    %dma_wait3A_320 = tpu.memref_squeeze %dma_wait3A_319 : memref<1x128x256xf32, #tpu.memory_space<vmem>> -> memref<128x256xf32, #tpu.memory_space<vmem>>
    tpu.wait_dma2 semaphore(%arg11 : memref<!tpu.dma_semaphore, #tpu.memory_space<semaphore_mem>>) src(%dma_wait3A_320 : memref<128x256xf32, #tpu.memory_space<vmem>>) dst(%dma_wait3A_316 : memref<128x256xf32, #tpu.memory_space<hbm>>)
    %dma_start3A_321 = arith.constant 1 : i32
    %dma_start3A_322 = arith.constant 0 : i32
    %dma_start3A_323 = arith.constant 0 : i32
    %dma_start3A_324 = tpu.memref_slice %arg6[%dma_start3A_321, %dma_start3A_322, %dma_start3A_323] : memref<3x128x256xf32, #tpu.memory_space<vmem>> -> memref<1x128x256xf32, #tpu.memory_space<vmem>>
    %dma_start3A_325 = tpu.memref_squeeze %dma_start3A_324 : memref<1x128x256xf32, #tpu.memory_space<vmem>> -> memref<128x256xf32, #tpu.memory_space<vmem>>
    %dma_start3A_326 = arith.constant 896 : i32
    %dma_start3A_327 = arith.constant 0 : i32
    %dma_start3A_328 = tpu.memref_slice %arg2[%dma_start3A_326, %dma_start3A_327] : memref<8200x256xf32, #tpu.memory_space<hbm>> -> memref<128x256xf32, #tpu.memory_space<hbm>>
    %dma_start3A_329 = arith.constant 0 : i32
    %dma_start3A_330 = arith.constant 0 : i32
    %dma_start3A_331 = tpu.memref_slice %arg6[%dma_start3A_321, %dma_start3A_329, %dma_start3A_330] : memref<3x128x256xf32, #tpu.memory_space<vmem>> -> memref<1x128x256xf32, #tpu.memory_space<vmem>>
    %dma_start3A_332 = tpu.memref_squeeze %dma_start3A_331 : memref<1x128x256xf32, #tpu.memory_space<vmem>> -> memref<128x256xf32, #tpu.memory_space<vmem>>
    %dma_start3A_333 = arith.constant 896 : i32
    %dma_start3A_334 = arith.constant 0 : i32
    %dma_start3A_335 = tpu.memref_slice %arg2[%dma_start3A_333, %dma_start3A_334] : memref<8200x256xf32, #tpu.memory_space<hbm>> -> memref<128x256xf32, #tpu.memory_space<hbm>>
    tpu.enqueue_dma source(%dma_start3A_335 : memref<128x256xf32, #tpu.memory_space<hbm>>) target(%dma_start3A_332 : memref<128x256xf32, #tpu.memory_space<vmem>>) target_semaphore(%arg8 : memref<!tpu.dma_semaphore, #tpu.memory_space<semaphore_mem>>)
    %dma_wait3A_336 = arith.constant 2 : i32
    %dma_wait3A_337 = arith.constant 0 : i32
    %dma_wait3A_338 = arith.constant 0 : i32
    %dma_wait3A_339 = tpu.memref_slice %arg6[%dma_wait3A_336, %dma_wait3A_337, %dma_wait3A_338] : memref<3x128x256xf32, #tpu.memory_space<vmem>> -> memref<1x128x256xf32, #tpu.memory_space<vmem>>
    %dma_wait3A_340 = tpu.memref_squeeze %dma_wait3A_339 : memref<1x128x256xf32, #tpu.memory_space<vmem>> -> memref<128x256xf32, #tpu.memory_space<vmem>>
    %dma_wait3A_341 = arith.constant 640 : i32
    %dma_wait3A_342 = arith.constant 0 : i32
    %dma_wait3A_343 = tpu.memref_slice %arg2[%dma_wait3A_341, %dma_wait3A_342] : memref<8200x256xf32, #tpu.memory_space<hbm>> -> memref<128x256xf32, #tpu.memory_space<hbm>>
    %dma_wait3A_344 = arith.constant 0 : i32
    %dma_wait3A_345 = arith.constant 0 : i32
    %dma_wait3A_346 = tpu.memref_slice %arg6[%dma_wait3A_336, %dma_wait3A_344, %dma_wait3A_345] : memref<3x128x256xf32, #tpu.memory_space<vmem>> -> memref<1x128x256xf32, #tpu.memory_space<vmem>>
    %dma_wait3A_347 = tpu.memref_squeeze %dma_wait3A_346 : memref<1x128x256xf32, #tpu.memory_space<vmem>> -> memref<128x256xf32, #tpu.memory_space<vmem>>
    %dma_wait3A_348 = arith.constant 640 : i32
    %dma_wait3A_349 = arith.constant 0 : i32
    %dma_wait3A_350 = tpu.memref_slice %arg2[%dma_wait3A_348, %dma_wait3A_349] : memref<8200x256xf32, #tpu.memory_space<hbm>> -> memref<128x256xf32, #tpu.memory_space<hbm>>
    tpu.wait_dma2 semaphore(%arg9 : memref<!tpu.dma_semaphore, #tpu.memory_space<semaphore_mem>>) src(%dma_wait3A_350 : memref<128x256xf32, #tpu.memory_space<hbm>>) dst(%dma_wait3A_347 : memref<128x256xf32, #tpu.memory_space<vmem>>)
    %add3A_351 = arith.constant 640 : i32
    %add3A_352 = arith.addi %mul3A_2, %add3A_351 : i32
    %dma_start3A_353 = arith.constant 2 : i32
    %dma_start3A_354 = arith.constant 0 : i32
    %dma_start3A_355 = arith.constant 0 : i32
    %dma_start3A_356 = tpu.memref_slice %arg6[%dma_start3A_353, %dma_start3A_354, %dma_start3A_355] : memref<3x128x256xf32, #tpu.memory_space<vmem>> -> memref<1x128x256xf32, #tpu.memory_space<vmem>>
    %dma_start3A_357 = tpu.memref_squeeze %dma_start3A_356 : memref<1x128x256xf32, #tpu.memory_space<vmem>> -> memref<128x256xf32, #tpu.memory_space<vmem>>
    %dma_start3A_358 = arith.constant 0 : i32
    %dma_start3A_359 = tpu.memref_slice %arg4[%add3A_352, %dma_start3A_358] : memref<32768x256xf32, #tpu.memory_space<hbm>> -> memref<128x256xf32, #tpu.memory_space<hbm>>
    %dma_start3A_360 = arith.constant 0 : i32
    %dma_start3A_361 = tpu.memref_slice %arg4[%add3A_352, %dma_start3A_360] : memref<32768x256xf32, #tpu.memory_space<hbm>> -> memref<128x256xf32, #tpu.memory_space<hbm>>
    %dma_start3A_362 = arith.constant 0 : i32
    %dma_start3A_363 = arith.constant 0 : i32
    %dma_start3A_364 = tpu.memref_slice %arg6[%dma_start3A_353, %dma_start3A_362, %dma_start3A_363] : memref<3x128x256xf32, #tpu.memory_space<vmem>> -> memref<1x128x256xf32, #tpu.memory_space<vmem>>
    %dma_start3A_365 = tpu.memref_squeeze %dma_start3A_364 : memref<1x128x256xf32, #tpu.memory_space<vmem>> -> memref<128x256xf32, #tpu.memory_space<vmem>>
    tpu.enqueue_dma source(%dma_start3A_365 : memref<128x256xf32, #tpu.memory_space<vmem>>) target(%dma_start3A_361 : memref<128x256xf32, #tpu.memory_space<hbm>>) target_semaphore(%arg12 : memref<!tpu.dma_semaphore, #tpu.memory_space<semaphore_mem>>)
    %dma_wait3A_366 = arith.constant 0 : i32
    %dma_wait3A_367 = arith.constant 0 : i32
    %dma_wait3A_368 = arith.constant 0 : i32
    %dma_wait3A_369 = tpu.memref_slice %arg6[%dma_wait3A_366, %dma_wait3A_367, %dma_wait3A_368] : memref<3x128x256xf32, #tpu.memory_space<vmem>> -> memref<1x128x256xf32, #tpu.memory_space<vmem>>
    %dma_wait3A_370 = tpu.memref_squeeze %dma_wait3A_369 : memref<1x128x256xf32, #tpu.memory_space<vmem>> -> memref<128x256xf32, #tpu.memory_space<vmem>>
    %dma_wait3A_371 = arith.constant 768 : i32
    %dma_wait3A_372 = arith.constant 0 : i32
    %dma_wait3A_373 = tpu.memref_slice %arg2[%dma_wait3A_371, %dma_wait3A_372] : memref<8200x256xf32, #tpu.memory_space<hbm>> -> memref<128x256xf32, #tpu.memory_space<hbm>>
    %dma_wait3A_374 = arith.constant 0 : i32
    %dma_wait3A_375 = arith.constant 0 : i32
    %dma_wait3A_376 = tpu.memref_slice %arg6[%dma_wait3A_366, %dma_wait3A_374, %dma_wait3A_375] : memref<3x128x256xf32, #tpu.memory_space<vmem>> -> memref<1x128x256xf32, #tpu.memory_space<vmem>>
    %dma_wait3A_377 = tpu.memref_squeeze %dma_wait3A_376 : memref<1x128x256xf32, #tpu.memory_space<vmem>> -> memref<128x256xf32, #tpu.memory_space<vmem>>
    %dma_wait3A_378 = arith.constant 768 : i32
    %dma_wait3A_379 = arith.constant 0 : i32
    %dma_wait3A_380 = tpu.memref_slice %arg2[%dma_wait3A_378, %dma_wait3A_379] : memref<8200x256xf32, #tpu.memory_space<hbm>> -> memref<128x256xf32, #tpu.memory_space<hbm>>
    tpu.wait_dma2 semaphore(%arg7 : memref<!tpu.dma_semaphore, #tpu.memory_space<semaphore_mem>>) src(%dma_wait3A_380 : memref<128x256xf32, #tpu.memory_space<hbm>>) dst(%dma_wait3A_377 : memref<128x256xf32, #tpu.memory_space<vmem>>)
    %add3A_381 = arith.constant 768 : i32
    %add3A_382 = arith.addi %mul3A_2, %add3A_381 : i32
    %dma_start3A_383 = arith.constant 0 : i32
    %dma_start3A_384 = arith.constant 0 : i32
    %dma_start3A_385 = arith.constant 0 : i32
    %dma_start3A_386 = tpu.memref_slice %arg6[%dma_start3A_383, %dma_start3A_384, %dma_start3A_385] : memref<3x128x256xf32, #tpu.memory_space<vmem>> -> memref<1x128x256xf32, #tpu.memory_space<vmem>>
    %dma_start3A_387 = tpu.memref_squeeze %dma_start3A_386 : memref<1x128x256xf32, #tpu.memory_space<vmem>> -> memref<128x256xf32, #tpu.memory_space<vmem>>
    %dma_start3A_388 = arith.constant 0 : i32
    %dma_start3A_389 = tpu.memref_slice %arg4[%add3A_382, %dma_start3A_388] : memref<32768x256xf32, #tpu.memory_space<hbm>> -> memref<128x256xf32, #tpu.memory_space<hbm>>
    %dma_start3A_390 = arith.constant 0 : i32
    %dma_start3A_391 = tpu.memref_slice %arg4[%add3A_382, %dma_start3A_390] : memref<32768x256xf32, #tpu.memory_space<hbm>> -> memref<128x256xf32, #tpu.memory_space<hbm>>
    %dma_start3A_392 = arith.constant 0 : i32
    %dma_start3A_393 = arith.constant 0 : i32
    %dma_start3A_394 = tpu.memref_slice %arg6[%dma_start3A_383, %dma_start3A_392, %dma_start3A_393] : memref<3x128x256xf32, #tpu.memory_space<vmem>> -> memref<1x128x256xf32, #tpu.memory_space<vmem>>
    %dma_start3A_395 = tpu.memref_squeeze %dma_start3A_394 : memref<1x128x256xf32, #tpu.memory_space<vmem>> -> memref<128x256xf32, #tpu.memory_space<vmem>>
    tpu.enqueue_dma source(%dma_start3A_395 : memref<128x256xf32, #tpu.memory_space<vmem>>) target(%dma_start3A_391 : memref<128x256xf32, #tpu.memory_space<hbm>>) target_semaphore(%arg10 : memref<!tpu.dma_semaphore, #tpu.memory_space<semaphore_mem>>)
    %dma_wait3A_396 = arith.constant 1 : i32
    %dma_wait3A_397 = arith.constant 0 : i32
    %dma_wait3A_398 = arith.constant 0 : i32
    %dma_wait3A_399 = tpu.memref_slice %arg6[%dma_wait3A_396, %dma_wait3A_397, %dma_wait3A_398] : memref<3x128x256xf32, #tpu.memory_space<vmem>> -> memref<1x128x256xf32, #tpu.memory_space<vmem>>
    %dma_wait3A_400 = tpu.memref_squeeze %dma_wait3A_399 : memref<1x128x256xf32, #tpu.memory_space<vmem>> -> memref<128x256xf32, #tpu.memory_space<vmem>>
    %dma_wait3A_401 = arith.constant 896 : i32
    %dma_wait3A_402 = arith.constant 0 : i32
    %dma_wait3A_403 = tpu.memref_slice %arg2[%dma_wait3A_401, %dma_wait3A_402] : memref<8200x256xf32, #tpu.memory_space<hbm>> -> memref<128x256xf32, #tpu.memory_space<hbm>>
    %dma_wait3A_404 = arith.constant 0 : i32
    %dma_wait3A_405 = arith.constant 0 : i32
    %dma_wait3A_406 = tpu.memref_slice %arg6[%dma_wait3A_396, %dma_wait3A_404, %dma_wait3A_405] : memref<3x128x256xf32, #tpu.memory_space<vmem>> -> memref<1x128x256xf32, #tpu.memory_space<vmem>>
    %dma_wait3A_407 = tpu.memref_squeeze %dma_wait3A_406 : memref<1x128x256xf32, #tpu.memory_space<vmem>> -> memref<128x256xf32, #tpu.memory_space<vmem>>
    %dma_wait3A_408 = arith.constant 896 : i32
    %dma_wait3A_409 = arith.constant 0 : i32
    %dma_wait3A_410 = tpu.memref_slice %arg2[%dma_wait3A_408, %dma_wait3A_409] : memref<8200x256xf32, #tpu.memory_space<hbm>> -> memref<128x256xf32, #tpu.memory_space<hbm>>
    tpu.wait_dma2 semaphore(%arg8 : memref<!tpu.dma_semaphore, #tpu.memory_space<semaphore_mem>>) src(%dma_wait3A_410 : memref<128x256xf32, #tpu.memory_space<hbm>>) dst(%dma_wait3A_407 : memref<128x256xf32, #tpu.memory_space<vmem>>)
    %add3A_411 = arith.constant 896 : i32
    %add3A_412 = arith.addi %mul3A_2, %add3A_411 : i32
    %dma_start3A_413 = arith.constant 1 : i32
    %dma_start3A_414 = arith.constant 0 : i32
    %dma_start3A_415 = arith.constant 0 : i32
    %dma_start3A_416 = tpu.memref_slice %arg6[%dma_start3A_413, %dma_start3A_414, %dma_start3A_415] : memref<3x128x256xf32, #tpu.memory_space<vmem>> -> memref<1x128x256xf32, #tpu.memory_space<vmem>>
    %dma_start3A_417 = tpu.memref_squeeze %dma_start3A_416 : memref<1x128x256xf32, #tpu.memory_space<vmem>> -> memref<128x256xf32, #tpu.memory_space<vmem>>
    %dma_start3A_418 = arith.constant 0 : i32
    %dma_start3A_419 = tpu.memref_slice %arg4[%add3A_412, %dma_start3A_418] : memref<32768x256xf32, #tpu.memory_space<hbm>> -> memref<128x256xf32, #tpu.memory_space<hbm>>
    %dma_start3A_420 = arith.constant 0 : i32
    %dma_start3A_421 = tpu.memref_slice %arg4[%add3A_412, %dma_start3A_420] : memref<32768x256xf32, #tpu.memory_space<hbm>> -> memref<128x256xf32, #tpu.memory_space<hbm>>
    %dma_start3A_422 = arith.constant 0 : i32
    %dma_start3A_423 = arith.constant 0 : i32
    %dma_start3A_424 = tpu.memref_slice %arg6[%dma_start3A_413, %dma_start3A_422, %dma_start3A_423] : memref<3x128x256xf32, #tpu.memory_space<vmem>> -> memref<1x128x256xf32, #tpu.memory_space<vmem>>
    %dma_start3A_425 = tpu.memref_squeeze %dma_start3A_424 : memref<1x128x256xf32, #tpu.memory_space<vmem>> -> memref<128x256xf32, #tpu.memory_space<vmem>>
    tpu.enqueue_dma source(%dma_start3A_425 : memref<128x256xf32, #tpu.memory_space<vmem>>) target(%dma_start3A_421 : memref<128x256xf32, #tpu.memory_space<hbm>>) target_semaphore(%arg11 : memref<!tpu.dma_semaphore, #tpu.memory_space<semaphore_mem>>)
    %dma_wait3A_426 = arith.constant 2 : i32
    %dma_wait3A_427 = arith.constant 0 : i32
    %dma_wait3A_428 = arith.constant 0 : i32
    %dma_wait3A_429 = tpu.memref_slice %arg6[%dma_wait3A_426, %dma_wait3A_427, %dma_wait3A_428] : memref<3x128x256xf32, #tpu.memory_space<vmem>> -> memref<1x128x256xf32, #tpu.memory_space<vmem>>
    %dma_wait3A_430 = tpu.memref_squeeze %dma_wait3A_429 : memref<1x128x256xf32, #tpu.memory_space<vmem>> -> memref<128x256xf32, #tpu.memory_space<vmem>>
    %dma_wait3A_431 = arith.constant 0 : i32
    %dma_wait3A_432 = tpu.memref_slice %arg4[%add3A_352, %dma_wait3A_431] : memref<32768x256xf32, #tpu.memory_space<hbm>> -> memref<128x256xf32, #tpu.memory_space<hbm>>
    %dma_wait3A_433 = arith.constant 0 : i32
    %dma_wait3A_434 = tpu.memref_slice %arg4[%add3A_352, %dma_wait3A_433] : memref<32768x256xf32, #tpu.memory_space<hbm>> -> memref<128x256xf32, #tpu.memory_space<hbm>>
    %dma_wait3A_435 = arith.constant 0 : i32
    %dma_wait3A_436 = arith.constant 0 : i32
    %dma_wait3A_437 = tpu.memref_slice %arg6[%dma_wait3A_426, %dma_wait3A_435, %dma_wait3A_436] : memref<3x128x256xf32, #tpu.memory_space<vmem>> -> memref<1x128x256xf32, #tpu.memory_space<vmem>>
    %dma_wait3A_438 = tpu.memref_squeeze %dma_wait3A_437 : memref<1x128x256xf32, #tpu.memory_space<vmem>> -> memref<128x256xf32, #tpu.memory_space<vmem>>
    tpu.wait_dma2 semaphore(%arg12 : memref<!tpu.dma_semaphore, #tpu.memory_space<semaphore_mem>>) src(%dma_wait3A_438 : memref<128x256xf32, #tpu.memory_space<vmem>>) dst(%dma_wait3A_434 : memref<128x256xf32, #tpu.memory_space<hbm>>)
    %dma_wait3A_439 = arith.constant 0 : i32
    %dma_wait3A_440 = arith.constant 0 : i32
    %dma_wait3A_441 = arith.constant 0 : i32
    %dma_wait3A_442 = tpu.memref_slice %arg6[%dma_wait3A_439, %dma_wait3A_440, %dma_wait3A_441] : memref<3x128x256xf32, #tpu.memory_space<vmem>> -> memref<1x128x256xf32, #tpu.memory_space<vmem>>
    %dma_wait3A_443 = tpu.memref_squeeze %dma_wait3A_442 : memref<1x128x256xf32, #tpu.memory_space<vmem>> -> memref<128x256xf32, #tpu.memory_space<vmem>>
    %dma_wait3A_444 = arith.constant 0 : i32
    %dma_wait3A_445 = tpu.memref_slice %arg4[%add3A_382, %dma_wait3A_444] : memref<32768x256xf32, #tpu.memory_space<hbm>> -> memref<128x256xf32, #tpu.memory_space<hbm>>
    %dma_wait3A_446 = arith.constant 0 : i32
    %dma_wait3A_447 = tpu.memref_slice %arg4[%add3A_382, %dma_wait3A_446] : memref<32768x256xf32, #tpu.memory_space<hbm>> -> memref<128x256xf32, #tpu.memory_space<hbm>>
    %dma_wait3A_448 = arith.constant 0 : i32
    %dma_wait3A_449 = arith.constant 0 : i32
    %dma_wait3A_450 = tpu.memref_slice %arg6[%dma_wait3A_439, %dma_wait3A_448, %dma_wait3A_449] : memref<3x128x256xf32, #tpu.memory_space<vmem>> -> memref<1x128x256xf32, #tpu.memory_space<vmem>>
    %dma_wait3A_451 = tpu.memref_squeeze %dma_wait3A_450 : memref<1x128x256xf32, #tpu.memory_space<vmem>> -> memref<128x256xf32, #tpu.memory_space<vmem>>
    tpu.wait_dma2 semaphore(%arg10 : memref<!tpu.dma_semaphore, #tpu.memory_space<semaphore_mem>>) src(%dma_wait3A_451 : memref<128x256xf32, #tpu.memory_space<vmem>>) dst(%dma_wait3A_447 : memref<128x256xf32, #tpu.memory_space<hbm>>)
    %dma_wait3A_452 = arith.constant 1 : i32
    %dma_wait3A_453 = arith.constant 0 : i32
    %dma_wait3A_454 = arith.constant 0 : i32
    %dma_wait3A_455 = tpu.memref_slice %arg6[%dma_wait3A_452, %dma_wait3A_453, %dma_wait3A_454] : memref<3x128x256xf32, #tpu.memory_space<vmem>> -> memref<1x128x256xf32, #tpu.memory_space<vmem>>
    %dma_wait3A_456 = tpu.memref_squeeze %dma_wait3A_455 : memref<1x128x256xf32, #tpu.memory_space<vmem>> -> memref<128x256xf32, #tpu.memory_space<vmem>>
    %dma_wait3A_457 = arith.constant 0 : i32
    %dma_wait3A_458 = tpu.memref_slice %arg4[%add3A_412, %dma_wait3A_457] : memref<32768x256xf32, #tpu.memory_space<hbm>> -> memref<128x256xf32, #tpu.memory_space<hbm>>
    %dma_wait3A_459 = arith.constant 0 : i32
    %dma_wait3A_460 = tpu.memref_slice %arg4[%add3A_412, %dma_wait3A_459] : memref<32768x256xf32, #tpu.memory_space<hbm>> -> memref<128x256xf32, #tpu.memory_space<hbm>>
    %dma_wait3A_461 = arith.constant 0 : i32
    %dma_wait3A_462 = arith.constant 0 : i32
    %dma_wait3A_463 = tpu.memref_slice %arg6[%dma_wait3A_452, %dma_wait3A_461, %dma_wait3A_462] : memref<3x128x256xf32, #tpu.memory_space<vmem>> -> memref<1x128x256xf32, #tpu.memory_space<vmem>>
    %dma_wait3A_464 = tpu.memref_squeeze %dma_wait3A_463 : memref<1x128x256xf32, #tpu.memory_space<vmem>> -> memref<128x256xf32, #tpu.memory_space<vmem>>
    tpu.wait_dma2 semaphore(%arg11 : memref<!tpu.dma_semaphore, #tpu.memory_space<semaphore_mem>>) src(%dma_wait3A_464 : memref<128x256xf32, #tpu.memory_space<vmem>>) dst(%dma_wait3A_460 : memref<128x256xf32, #tpu.memory_space<hbm>>)
    return
  }
}

module attributes {stable_mosaic.version = 14 : i64} {
  func.func @_idx_body(%arg0: i32, %arg1: memref<1x1x512xi32, #tpu.memory_space<vmem>>, %arg2: memref<1x2176x1xi32, #tpu.memory_space<vmem>>) attributes {dimension_semantics = [#tpu.dimension_semantics<arbitrary>], iteration_bounds = array<i64: 16>, scalar_prefetch = 0 : i64, scratch_operands = 0 : i64, tpu.core_type = #tpu.core_type<tc>, window_params = [{transform_indices = @transform_0, window_bounds = array<i64: 1, 1, 512>}, {transform_indices = @transform_1, window_bounds = array<i64: 1, 2176, 1>}]} {
    %get3A = arith.constant 0 : index
    %get3A_0 = arith.constant 0 : index
    %get3A_1 = arith.constant 0 : index
    %get3A_2 = vector.load %arg1[%get3A, %get3A_0, %get3A_1] : memref<1x1x512xi32, #tpu.memory_space<vmem>>, vector<1x1x512xi32>
    %reshape3A = vector.shape_cast %get3A_2 : vector<1x1x512xi32> to vector<1x512xi32>
    %convert_element_type3A = arith.sitofp %reshape3A : vector<1x512xi32> to vector<1x512xf32>
    %iota3A = tpu.iota {dimensions = array<i32: 0>} : vector<512x512xi32>
    %iota3A_3 = tpu.iota {dimensions = array<i32: 1>} : vector<512x512xi32>
    %le3A = arith.cmpi sle, %iota3A, %iota3A_3 : vector<512x512xi32>
    %convert_element_type3A_4 = arith.extui %le3A : vector<512x512xi1> to vector<512x512xi32>
    %convert_element_type3A_5 = arith.sitofp %convert_element_type3A_4 : vector<512x512xi32> to vector<512x512xf32>
    %dot_general3A = arith.constant dense<0.000000e+00> : vector<1x512xf32>
    %dot_general3A_6 = tpu.matmul %convert_element_type3A, %convert_element_type3A_5, %dot_general3A {dimension_numbers = #tpu.dot_dimension_numbers<[1], [0], [0], [1], [0, 0, 1, 1], [], []>, transpose_lhs_hint = false} : vector<1x512xf32>, vector<512x512xf32>, vector<1x512xf32> -> vector<1x512xf32>
    %convert_element_type3A_7 = arith.fptosi %dot_general3A_6 : vector<1x512xf32> to vector<1x512xi32>
    %iota3A_8 = tpu.iota {dimensions = array<i32: 0>} : vector<2048x512xi32>
    %le3A_9 = vector.broadcast %convert_element_type3A_7 : vector<1x512xi32> to vector<2048x512xi32>
    %le3A_10 = arith.cmpi sle, %le3A_9, %iota3A_8 : vector<2048x512xi32>
    %convert_element_type3A_11 = arith.extui %le3A_10 : vector<2048x512xi1> to vector<2048x512xi32>
    %reduce_sum3A = arith.constant dense<0> : vector<2048xi32>
    %reduce_sum3A_12 = vector.multi_reduction <add>, %convert_element_type3A_11, %reduce_sum3A [1] : vector<2048x512xi32> to vector<2048xi32>
    %broadcast_in_dim3A = vector.shape_cast %reduce_sum3A_12 : vector<2048xi32> to vector<2048x1xi32>
    %ge3A = arith.constant 512 : i32
    %ge3A_13 = vector.broadcast %ge3A : i32 to vector<2048x1xi32>
    %ge3A_14 = arith.cmpi sge, %broadcast_in_dim3A, %ge3A_13 : vector<2048x1xi32>
    %mul3A = arith.constant 512 : i32
    %mul3A_15 = arith.muli %arg0, %mul3A : i32
    %add3A = vector.broadcast %mul3A_15 : i32 to vector<2048x1xi32>
    %add3A_16 = arith.addi %add3A, %broadcast_in_dim3A : vector<2048x1xi32>
    %jit3A = arith.constant 8192 : i32
    %broadcast_in_dim3A_17 = vector.broadcast %jit3A : i32 to vector<2048x1xi32>
    %select_n3A = arith.select %ge3A_14, %broadcast_in_dim3A_17, %add3A_16 : vector<2048x1xi1>, vector<2048x1xi32>
    %reduce_sum3A_18 = vector.shape_cast %reshape3A : vector<1x512xi32> to vector<1x1x512xi32>
    %reduce_sum3A_19 = arith.constant dense<0> : vector<1xi32>
    %reduce_sum3A_20 = vector.multi_reduction <add>, %reduce_sum3A_18, %reduce_sum3A_19 [1, 2] : vector<1x1x512xi32> to vector<1xi32>
    %reduce_sum3A_21 = vector.shape_cast %reduce_sum3A_20 : vector<1xi32> to vector<1x1x1xi32>
    %reduce_sum3A_22 = vector.extract %reduce_sum3A_21[0, 0, 0] : i32 from vector<1x1x1xi32>
    %broadcast_in_dim3A_23 = vector.broadcast %reduce_sum3A_22 : i32 to vector<128x1xi32>
    %concatenate3A = tpu.concatenate %select_n3A, %broadcast_in_dim3A_23 in 0 : vector<2048x1xi32>, vector<128x1xi32> -> vector<2176x1xi32>
    %reshape3A_24 = vector.shape_cast %concatenate3A : vector<2176x1xi32> to vector<1x2176x1xi32>
    %swap3A = arith.constant 0 : index
    %swap3A_25 = arith.constant 0 : index
    %swap3A_26 = arith.constant 0 : index
    %swap3A_27 = vector.load %arg2[%swap3A, %swap3A_25, %swap3A_26] : memref<1x2176x1xi32, #tpu.memory_space<vmem>>, vector<1x2176x1xi32>
    tpu.vector_store %arg2[%swap3A, %swap3A_25, %swap3A_26], %reshape3A_24 {strides = array<i32>} : memref<1x2176x1xi32, #tpu.memory_space<vmem>>, vector<1x2176x1xi32>,
    return
  }
  func.func @transform_0(%arg0: i32) -> (i32, i32, i32) {
    %c0_i32 = arith.constant 0 : i32
    %c0_i32_0 = arith.constant 0 : i32
    %c0_i32_1 = arith.constant 0 : i32
    return %arg0, %c0_i32, %c0_i32_0 : i32, i32, i32
  }
  func.func @transform_1(%arg0: i32) -> (i32, i32, i32) {
    %c0_i32 = arith.constant 0 : i32
    %c0_i32_0 = arith.constant 0 : i32
    %c0_i32_1 = arith.constant 0 : i32
    return %arg0, %c0_i32, %c0_i32_0 : i32, i32, i32
  }
}

</mosaic_0001>

<sc_bundles>
// kernel: kernel.4.cloned.1.call-start
scs
__scs_entry_jumppad:
0x0: {  	(pc) =	sbr.rel $0x88, $3  }
0x1: {  	(tag) =	ssettag $0x0;
	lr =	simm.s32 $0x1  }
0x2: {  	[smem:$0x3F9F] =	sst lr;
	_ =	strace $0xD0000000  }
0x3: {  	_ = 	snop  }
0x4: {  	_ = 	snop  }
0x5: {  	_ = 	snop  }
0x6: {  	_ = 	snop  }
0x7: {  	_ = 	snop  }
__scs_overlays_trampoline_lowered:
0x8: {  	[smem:$0x3FAE] =	sst s0  }
0x9: {  	[smem:$0x3FAF] =	sst s1  }
0xa: {  	[smem:$0x3FB0] =	sst s2  }
0xb: {  	[smem:$0x3FB1] =	sst s3  }
0xc: {  	[smem:$0x3FB2] =	sst s4  }
0xd: {  	[smem:$0x3FB3] =	sst s5  }
0xe: {  	[smem:$0x3FB4] =	sst s6  }
0xf: {  	[smem:$0x3FB5] =	sst s7  }
0x10: {  	[smem:$0x3FB6] =	sst s8  }
0x11: {  	[smem:$0x3FB7] =	sst s9;
	s0 =	simm.s32 @!p0 $0x0  }
0x12: {  	s1 =	sld [smem:$0x3F9D];
	s0 =	simm.s32 @p0 $0x1  }
0x13: {  	[smem:$0x3FB8] =	sst s0;
	s0 =	simm.s32 @!p1 $0x0  }
0x14: {  	s2 =	sld [smem:$0x3F9C];
	s0 =	simm.s32 @p1 $0x1  }
0x15: {  	[smem:$0x3FB9] =	sst s0;
	s0 =	simm.s32 @!p2 $0x0  }
0x16: {  	s3 =	sld [smem:$0x3FDB];
	s0 =	simm.s32 @p2 $0x1  }
0x17: {  	s4 =	simm.s32 $0x1BF5;
	[smem:$0x3FBB] =	sst s0  }
0x18: {  	s0 =	sld [smem:$0x3F9E];
	_ =	swait.ge [sflag:s4], $0x0  }
0x19: {  	s7 =	sld [smem:$0x3F9F]  }
0x1a: {  	s8 =	sadd.s32 $0xFFFFE003, lr  }
0x1b: {  	s9 =	sadd.s32 $0xFFFFFEF7, lr;
	s5 =	simm.s32 $0xFFFFFFFF;
	p2 =	slt.u32 s8, $0xFFFFF086  }
0x1c: {  	p1 =	slt.u32 s9, $0xF7A;
	s5 =	simm.s32 @!p2 $0x0  }
0x1d: {  	s5 =	simm.s32 @p1 $0x1;
	p0 =	seq.s32 s7, s2  }
0x1e: {  	s7 =	smul.u32 @!p0 $0xF7A, s2;
	p2 =	seq.s32 @!p0 s5, $0x0  }
0x1f: {  	s9 =	smul.u32 $0xF7A, s1;
	s8 =	simm.s32 @!p0 $0x1BF5;
	p2 =	por !p2, p0  }
0x20: {  	[sflag:s8] =	ssyncset.s32 @!p0 $0xFFFFF086;
	s6 =	sadd.s32 @!p0 s3, s7;
	s7 =	simm.s32 @!p0 $0x108  }
0x21: {  	s3 =	sadd.s32 s3, s9;
	s6 =	sadd.s32 @!p0 $0x88, s6;
	s7 =	simm.s32 @p2 $0x1082  }
0x22: {  	[simem:s7], [sflag:s8] =	dma.local @!p0 [hbm:s6], $0xF7A  }
0x23: {  	s9 =	sor.u32 $0xD0000000, s2;
	s6 =	simm.s32 $0x108;
	_ =	swait.ge @!p0 [sflag:s8], $0x0  }
0x24: {  	s3 =	sadd.s32 $0x88, s3;
	s6 =	simm.s32 @!p1 $0x1082;
	[sflag:s4] =	ssyncset.s32 $0xFFFFF086  }
0x25: {  	[simem:s6], [sflag:s4] =	dma.local [hbm:s3], $0xF7A  }
0x26: {  	[smem:$0x3F9F] =	sst s1;
	(tag) =	ssettag s2;
	_ =	strace s9  }
0x27: {  	s1 =	sld [smem:$0x3FAF]  }
0x28: {  	s2 =	sld [smem:$0x3FB0]  }
0x29: {  	s4 =	sld [smem:$0x3FB2]  }
0x2a: {  	p0 =	seq.s32 s5, $0x0;
	s5 =	sld [smem:$0x3FB3]  }
0x2b: {  	s6 =	sld [smem:$0x3FB4]  }
0x2c: {  	s7 =	sld [smem:$0x3FB5]  }
0x2d: {  	s3 =	simm.s32 $0x108;
	s8 =	sld [smem:$0x3FB6]  }
0x2e: {  	s3 =	simm.s32 @!p0 $0x1082;
	s9 =	sld [smem:$0x3FB7]  }
0x2f: {  	lr =	sadd.s32 s0, s3;
	s0 =	sld [smem:$0x3FAE]  }
0x30: {  	s3 =	sld [smem:$0x3FB1]  }
0x31: {  	[smem:$0x3FBA] =	sst s10  }
0x32: {  	s10 =	sld [smem:$0x3FB8];
	_ =	sdelay $0x3  }
0x33: {  	p0 =	seq.s32 s10, $0x1;
	s10 =	sld [smem:$0x3FBA];
	_ =	sdelay $0x3  }
0x34: {  	[smem:$0x3FBA] =	sst s10  }
0x35: {  	s10 =	sld [smem:$0x3FB9];
	_ =	sdelay $0x3  }
0x36: {  	p1 =	seq.s32 s10, $0x1;
	s10 =	sld [smem:$0x3FBA];
	_ =	sdelay $0x3  }
0x37: {  	[smem:$0x3FBA] =	sst s10  }
0x38: {  	s10 =	sld [smem:$0x3FBB]  }
0x39: {  	_ = 	snop;
	(pc) =	sbr.ind lr, $3  }
0x3a: {  	_ = 	snop  }
0x3b: {  	_ = 	snop  }
0x3c: {  	p2 =	seq.s32 s10, $0x1;
	s10 =	sld [smem:$0x3FBA]  }
0x3d: {  	_ =	shalt  }
0x3e: {  	_ =	shalt  }
0x3f: {  	_ =	shalt  }
0x40: {  	_ =	shalt  }
0x41: {  	_ =	shalt  }
0x42: {  	_ =	shalt  }
0x43: {  	_ =	shalt  }
0x44: {  	_ =	shalt  }
0x45: {  	_ =	shalt  }
0x46: {  	_ =	shalt  }
0x47: {  	_ =	shalt  }
0x48: {  	_ =	shalt  }
0x49: {  	_ =	shalt  }
0x4a: {  	_ =	shalt  }
0x4b: {  	_ =	shalt  }
0x4c: {  	_ =	shalt  }
0x4d: {  	_ =	shalt  }
0x4e: {  	_ =	shalt  }
0x4f: {  	_ =	shalt  }
0x50: {  	_ =	shalt  }
0x51: {  	_ =	shalt  }
0x52: {  	_ =	shalt  }
0x53: {  	_ =	shalt  }
0x54: {  	_ =	shalt  }
0x55: {  	_ =	shalt  }
0x56: {  	_ =	shalt  }
0x57: {  	_ =	shalt  }
0x58: {  	_ =	shalt  }
0x59: {  	_ =	shalt  }
0x5a: {  	_ =	shalt  }
0x5b: {  	_ =	shalt  }
0x5c: {  	_ =	shalt  }
0x5d: {  	_ =	shalt  }
0x5e: {  	_ =	shalt  }
0x5f: {  	_ =	shalt  }
0x60: {  	_ =	shalt  }
0x61: {  	_ =	shalt  }
0x62: {  	_ =	shalt  }
0x63: {  	_ =	shalt  }
0x64: {  	_ =	shalt  }
0x65: {  	_ =	shalt  }
0x66: {  	_ =	shalt  }
0x67: {  	_ =	shalt  }
0x68: {  	_ =	shalt  }
0x69: {  	_ =	shalt  }
0x6a: {  	_ =	shalt  }
0x6b: {  	_ =	shalt  }
0x6c: {  	_ =	shalt  }
0x6d: {  	_ =	shalt  }
0x6e: {  	_ =	shalt  }
0x6f: {  	_ =	shalt  }
0x70: {  	_ =	shalt  }
0x71: {  	_ =	shalt  }
0x72: {  	_ =	shalt  }
0x73: {  	_ =	shalt  }
0x74: {  	_ =	shalt  }
0x75: {  	_ =	shalt  }
0x76: {  	_ =	shalt  }
0x77: {  	_ =	shalt  }
0x78: {  	_ =	shalt  }
0x79: {  	_ =	shalt  }
0x7a: {  	_ =	shalt  }
0x7b: {  	_ =	shalt  }
0x7c: {  	_ =	shalt  }
0x7d: {  	_ =	shalt  }
0x7e: {  	_ =	shalt  }
0x7f: {  	_ =	shalt  }
0x80: {  	_ =	shalt  }
0x81: {  	_ =	shalt  }
0x82: {  	_ =	shalt  }
0x83: {  	_ =	shalt  }
0x84: {  	_ =	shalt  }
0x85: {  	_ =	shalt  }
0x86: {  	_ =	shalt  }
0x87: {  	_ =	shalt  }
.Lfunc_end0:
.L_simem_size_0:
called_computation_lowered:
.L_overlay_start_0:
0x88: {  	s2 =	sld [smem:$0x3FD9]  }
0x89: {  	s3 =	sld [smem:$0x3FFE];
	_ =	sdelay $0x1  }
0x8a: {  	s1 =	srdreg.scid  }
0x8b: {  	s0 =	sand.u32 $0x1, s1  }
0x8c: {  	s14 =	sshll.u32 s0, $0xA;
	s2 =	sadd.s32 s3, s2  }
0x8d: {  	s2 =	sadd.s32 s2, s14  }
0x8e: {  	[smem:$0x3FC6] =	sst s2  }
0x8f: {  	_ = 	snop  }
0x90: {  	s2 =	sld [smem:$0x3FD0];
	_ =	sdelay $0x2  }
0x91: {  	s15 =	simm.s32 $0xA;
	s4 =	simm.s32 $0x10  }
0x92: {  	[smem:s4], [sflag:s15] =	dma.local [hbm:s2], $0x1  }
0x93: {  	_ =	swait.eq [sflag:s15], $0x1  }
0x94: {  	[sflag:s15] =	ssyncset.done $0x0  }
0x95: {  	[sflag:s15] =	ssyncadd.s32 $0xFFFFFFFF  }
0x96: {  	s16 =	sld [smem:$0x10];
	(tm) =	ssettm $0x1  }
0x97: {  	s17 =	sld [smem:$0x3FFB];
	_ =	sdelay $0x3  }
0x98: {  	_ =	strace s17  }
0x99: {  	s3 =	sld [smem:$0x3FFC];
	_ =	sdelay $0x3  }
0x9a: {  	_ =	strace s3  }
0x9b: {  	s3 =	sld [smem:$0x3FFD];
	_ =	sdelay $0x3  }
0x9c: {  	_ =	strace s3  }
0x9d: {  	_ =	strace $0x8FFFFFFF  }
0x9e: {  	s18 =	sld [smem:$0x3FDB];
	_ =	sdelay $0x1  }
0x9f: {  	s19 =	simm.s32 $_scs_section_size  }
0xa0: {  	s5 =	simm.s32 $_size__tile_overlayer_lowered;
	s6 =	simm.s32 $_tile_overlayer_lowered  }
0xa1: {  	s22 =	simm.s32 $0x1BFF;
	s21 =	sshll.u32 s6, $0x1;
	s3 =	sadd.s32 s19, s18  }
0xa2: {  	s7 =	simm.s32 $0x0;
	s20 =	sshll.u32 s5, $0x1;
	s5 =	sadd.s32 s21, s3  }
0xa3: {  	[timem:s7], [sflag:s22] =	dma.local [hbm:s5], s20  }
0xa4: {  	_ =	swait.ge [sflag:s22], s20  }
0xa5: {  	s4 =	ssub.s32 $0x0, s20;
	[sflag:s22] =	ssyncset.done $0x0  }
0xa6: {  	[sflag:s22] =	ssyncadd.s32 s4;
	_ =	sdelay $0x1  }
0xa7: {  	s23 =	simm.s32 $0x1B8B  }
0xa8: {  	_ =	swait.ge [sflag:s23], $0x1  }
0xa9: {  	[sflag:s23] =	ssyncset.done $0x0  }
0xaa: {  	s25 =	simm.s32 $0x1B8E;
	s24 =	sld [smem:$0x3FFE];
	[sflag:s23] =	ssyncadd.s32 $0xFFFFFFFF  }
0xab: {  	s26 =	simm.s32 $execute0_lowered;
	[smem:$0x3FD2] =	sst s25  }
0xac: {  	s5 =	sshll.u32 s26, $0x1;
	_ =	strace $0x80000046;
	[dreg:$0x1] =	wrdreg $0xFFFFFFFF  }
0xad: {  	s28 =	simm.s32 $_size_execute0_lowered;
	s3 =	sadd.s32 s3, s5;
	[dreg:$0x0] =	wrdreg $0x0  }
0xae: {  	s5 =	sshll.u32 s28, $0x1;
	[dreg:$0x2] =	wrdreg s3  }
0xaf: {  	[dreg:$0x3] =	wrdreg s5  }
0xb0: {  	[dreg:$0x4] =	wrdreg $0xC0  }
0xb1: {  	_ =	task [dreg:s7], $0x5FFFF  }
0xb2: {  	[dreg:$0x1] =	wrdreg $0xFFFFFFFF  }
0xb3: {  	[dreg:$0x0] =	wrdreg $0x60  }
0xb4: {  	[dreg:$0x2] =	wrdreg s24  }
0xb5: {  	[dreg:$0x3] =	wrdreg s16  }
0xb6: {  	[dreg:$0x4] =	wrdreg $0x9  }
0xb7: {  	_ =	task.clear_ibuf [dreg:s7], $0x5FFFF;
	_ =	strace $0x90000046  }
0xb8: {  	s29 =	simm.s32 $0x9;
	_ =	strace $0x80000048  }
0xb9: {  	_ =	swait.ge [sflag:s29], $0x1  }
0xba: {  	[sflag:s29] =	ssyncadd.s32 $0xFFFFFFFF  }
0xbb: {  	_ =	strace $0x90000048  }
0xbc: {  	_ =	sfence  }
0xbd: {  	s30 =	sld [smem:$0x0];
	_ =	sdelay $0x2  }
0xbe: {  	s31 =	sshll.u32 s1, $0xD;
	s1 =	sshrl.u32 s1, $0x2  }
0xbf: {  	s3 =	sand.u32 $0x4000, s31;
	s1 =	sadd.s32 s1, s30  }
0xc0: {  	s0 =	sor.u32 s3, s0;
	s1 =	sshll.u32 s1, $0x11  }
0xc1: {  	s0 =	sor.u32 s1, s0  }
0xc2: {  	s0 =	sadd.s32 $0x8F2B, s0  }
0xc3: {  	[sflag:s0] =	ssyncadd.remote.s32 $0x1  }
0xc4: {  	_ =	sfence.sel $0xFFFF  }
0xc5: {  	[dreg:$0x0] =	wrdreg $0xFFFFFFFF;
	(pc) =	sbr.abs _section_cstart, $3  }
0xc6: {  	[dreg:$0x1] =	wrdreg $0xFFFFFFFF  }
0xc7: {  	_ =	task.clear_ibuf [dreg:s7], $0x2FFFF;
	_ =	strace $0x9FFFFFFF  }
0xc8: {  	(tm) =	ssettm $0x7FFFFFFF  }
0xc9: {  	_ =	shalt  }
tec
execute0_lowered:
.L_overlay_start_1:
0x0: {  	(tag) =	ssettag $0x1  }
0x1: {  	s1 =	srdreg.scid  }
0x2: {  	s0 =	stileid.u32;
	s31 =	sand.u32 $0x1, s1  }
0x3: {  	s25 =	sshll.u32 s0, $0xB;
	s2 =	sshll.u32 s31, $0xA  }
0x4: {  	s26 =	rddreg [dreg:$0x0];
	s13 =	sor.u32 s2, s25  }
0x5: {  	s12 =	rddreg [dreg:$0x1];
	s2 =	simm.s32 $0x0;
	s3 =	sshrl.u32 s13, $0x3  }
0x6: {  	[smem:$0x7FF] =	sst s2;
	s3 =	sadd.s32 s3, s26  }
0x7: {  	s4 =	simm.s32 $0x7;
	_ =	strace $0x80000047;
	s3 =	sadd.s32 $0x200, s3  }
0x8: {  	[tilespmem:s2], [sflag:$0x7] =	stream.linear.gather [hbm4b:s3+s2], $0x400, $0x38;
	[tilespmem:$0x18400] =	vst v63  }
0x9: {  	_ =	swait.ge [sflag:s4], $0x400  }
0xa: {  	[sflag:s4] =	ssyncset.done $0x0  }
0xb: {  	s6 =	simm.s32 $0x400;
	s5 =	sadd.s32 $0x1200, s26;
	[sflag:s4] =	ssyncadd.s32 $0xFFFFFC00  }
0xc: {  	[tilespmem:s6], [sflag:$0x1] =	stream.linear.gather [hbm4b:s5+s2], $0x8000, $0x38;
	[tilespmem:$0x18400] =	vst v63  }
0xd: {  	s8 =	simm.s32 $0x8400;
	s7 =	sadd.s32 $0x2200, s26  }
0xe: {  	[tilespmem:s8], [sflag:$0x2] =	stream.linear.gather [hbm4b:s7+s2], $0x8000, $0x38;
	[tilespmem:$0x18400] =	vst v63  }
0xf: {  	s10 =	simm.s32 $0x10400;
	s11 =	simm.s32 $0x1;
	s9 =	sadd.s32 $0x3200, s26  }
0x10: {  	[tilespmem:s10], [sflag:$0x3] =	stream.linear.gather [hbm4b:s9+s2], $0x8000, $0x38;
	[tilespmem:$0x18400] =	vst v63  }
0x11: {  	_ =	swait.ge [sflag:s11], $0x8000  }
0x12: {  	s13 =	sshll.u32 s13, $0x5;
	[sflag:s11] =	ssyncset.done $0x0  }
0x13: {  	s12 =	sadd.s32 s12, s13;
	s13 =	simm.s32 $0x4;
	[sflag:s11] =	ssyncadd.s32 $0xFFFF8000  }
0x14: {  	[hbm4b:s12+s2] =	stream.linear.scatter [tilespmem:s6], [sflag:$0x4], $0x8000, $0x38;
	[tilespmem:$0x18400] =	vst v63  }
0x15: {  	_ =	swait.ge [sflag:s13], $0x8000  }
0x16: {  	[sflag:s13] =	ssyncset.done $0x0  }
0x17: {  	s15 =	simm.s32 $0x2;
	s14 =	sadd.s32 $0x4200, s26;
	[sflag:s13] =	ssyncadd.s32 $0xFFFF8000  }
0x18: {  	[tilespmem:s6], [sflag:$0x1] =	stream.linear.gather [hbm4b:s14+s2], $0x8000, $0x38;
	[tilespmem:$0x18400] =	vst v63  }
0x19: {  	_ =	swait.ge [sflag:s15], $0x8000  }
0x1a: {  	[sflag:s15] =	ssyncset.done $0x0  }
0x1b: {  	s16 =	simm.s32 $0x5;
	s17 =	sadd.s32 $0x1000, s12;
	[sflag:s15] =	ssyncadd.s32 $0xFFFF8000  }
0x1c: {  	[hbm4b:s17+s2] =	stream.linear.scatter [tilespmem:s8], [sflag:$0x5], $0x8000, $0x38;
	[tilespmem:$0x18400] =	vst v63  }
0x1d: {  	_ =	swait.ge [sflag:s16], $0x8000  }
0x1e: {  	[sflag:s16] =	ssyncset.done $0x0  }
0x1f: {  	s19 =	simm.s32 $0x3;
	s18 =	sadd.s32 $0x5200, s26;
	[sflag:s16] =	ssyncadd.s32 $0xFFFF8000  }
0x20: {  	[tilespmem:s8], [sflag:$0x2] =	stream.linear.gather [hbm4b:s18+s2], $0x8000, $0x38;
	[tilespmem:$0x18400] =	vst v63  }
0x21: {  	_ =	swait.ge [sflag:s19], $0x8000  }
0x22: {  	[sflag:s19] =	ssyncset.done $0x0  }
0x23: {  	s21 =	simm.s32 $0x6;
	s20 =	sadd.s32 $0x2000, s12;
	[sflag:s19] =	ssyncadd.s32 $0xFFFF8000  }
0x24: {  	[hbm4b:s20+s2] =	stream.linear.scatter [tilespmem:s10], [sflag:$0x6], $0x8000, $0x38;
	[tilespmem:$0x18400] =	vst v63  }
0x25: {  	_ =	swait.ge [sflag:s21], $0x8000  }
0x26: {  	[sflag:s21] =	ssyncset.done $0x0  }
0x27: {  	s22 =	sadd.s32 $0x6200, s26;
	[sflag:s21] =	ssyncadd.s32 $0xFFFF8000  }
0x28: {  	[tilespmem:s10], [sflag:$0x3] =	stream.linear.gather [hbm4b:s22+s2], $0x8000, $0x38;
	[tilespmem:$0x18400] =	vst v63  }
0x29: {  	_ =	swait.ge [sflag:s11], $0x8000  }
0x2a: {  	[sflag:s11] =	ssyncset.done $0x0  }
0x2b: {  	s23 =	sadd.s32 $0x3000, s12;
	[sflag:s11] =	ssyncadd.s32 $0xFFFF8000  }
0x2c: {  	[hbm4b:s23+s2] =	stream.linear.scatter [tilespmem:s6], [sflag:$0x4], $0x8000, $0x38;
	[tilespmem:$0x18400] =	vst v63  }
0x2d: {  	_ =	swait.ge [sflag:s13], $0x8000  }
0x2e: {  	[sflag:s13] =	ssyncset.done $0x0  }
0x2f: {  	s24 =	sadd.s32 $0x7200, s26;
	[sflag:s13] =	ssyncadd.s32 $0xFFFF8000  }
0x30: {  	[tilespmem:s6], [sflag:$0x1] =	stream.linear.gather [hbm4b:s24+s2], $0x8000, $0x38;
	[tilespmem:$0x18400] =	vst v63  }
0x31: {  	_ =	swait.ge [sflag:s15], $0x8000  }
0x32: {  	[sflag:s15] =	ssyncset.done $0x0  }
0x33: {  	s25 =	sadd.s32 $0x4000, s12;
	[sflag:s15] =	ssyncadd.s32 $0xFFFF8000  }
0x34: {  	[hbm4b:s25+s2] =	stream.linear.scatter [tilespmem:s8], [sflag:$0x5], $0x8000, $0x38;
	[tilespmem:$0x18400] =	vst v63  }
0x35: {  	_ =	swait.ge [sflag:s16], $0x8000  }
0x36: {  	[sflag:s16] =	ssyncset.done $0x0  }
0x37: {  	s26 =	sadd.s32 $0x8200, s26;
	[sflag:s16] =	ssyncadd.s32 $0xFFFF8000  }
0x38: {  	[tilespmem:s8], [sflag:$0x2] =	stream.linear.gather [hbm4b:s26+s2], $0x8000, $0x38;
	[tilespmem:$0x18400] =	vst v63  }
0x39: {  	_ =	swait.ge [sflag:s19], $0x8000  }
0x3a: {  	[sflag:s19] =	ssyncset.done $0x0  }
0x3b: {  	s28 =	sadd.s32 $0x5000, s12;
	[sflag:s19] =	ssyncadd.s32 $0xFFFF8000  }
0x3c: {  	[hbm4b:s28+s2] =	stream.linear.scatter [tilespmem:s10], [sflag:$0x6], $0x8000, $0x38;
	[tilespmem:$0x18400] =	vst v63  }
0x3d: {  	_ =	swait.ge [sflag:s11], $0x8000  }
0x3e: {  	[sflag:s11] =	ssyncset.done $0x0  }
0x3f: {  	s29 =	sadd.s32 $0x6000, s12;
	[sflag:s11] =	ssyncadd.s32 $0xFFFF8000  }
0x40: {  	[hbm4b:s29+s2] =	stream.linear.scatter [tilespmem:s6], [sflag:$0x4], $0x8000, $0x38;
	[tilespmem:$0x18400] =	vst v63  }
0x41: {  	_ =	swait.ge [sflag:s15], $0x8000  }
0x42: {  	s31 =	ssub.s32 $0x2, s31;
	[sflag:s15] =	ssyncset.done $0x0  }
0x43: {  	s1 =	sshrl.u32 s31, $0x1;
	s30 =	sadd.s32 $0x7000, s12;
	[sflag:s15] =	ssyncadd.s32 $0xFFFF8000  }
0x44: {  	[hbm4b:s30+s2] =	stream.linear.scatter [tilespmem:s8], [sflag:$0x5], $0x8000, $0x38;
	[tilespmem:$0x18400] =	vst v63  }
0x45: {  	s1 =	ssub.s32 s31, s1;
	_ =	swait.ge [sflag:s21], $0x8000  }
0x46: {  	s1 =	smax.u32 s1, $0x1;
	[sflag:s21] =	ssyncset.done $0x0  }
0x47: {  	p0 =	sne.s32 s1, $0x1;
	[sflag:s21] =	ssyncadd.s32 $0xFFFF8000  }
.Ltmp0:
0x48: {  	_ =	swait.ge [sflag:s13], $0x8000;
	(pc) =	sbr.rel @!p0 .LBB2_2-.Ltmp0, $4  }
0x49: {  	[sflag:s13] =	ssyncset.done $0x0  }
0x4a: {  	[sflag:s13] =	ssyncadd.s32 $0xFFFF8000  }
0x4b: {  	_ =	swait.ge [sflag:s16], $0x8000  }
0x4c: {  	s31 =	sadd.s32 $0xFFFFFFFF, s1;
	[sflag:s16] =	ssyncset.done $0x0  }
.LBB2_1:
0x4d: {  	p0 =	sne.s32 s31, $0x1;
	s31 =	sadd.s32 $0xFFFFFFFF, s31;
	[sflag:s16] =	ssyncadd.s32 $0xFFFF8000  }
0x4e: {  	[tilespmem:s2], [sflag:$0x7] =	stream.linear.gather [hbm4b:s3+s2], $0x400, $0x38;
	[tilespmem:$0x18400] =	vst v63  }
0x4f: {  	_ =	swait.ge [sflag:s4], $0x400  }
0x50: {  	[sflag:s4] =	ssyncset.done $0x0  }
0x51: {  	[sflag:s4] =	ssyncadd.s32 $0xFFFFFC00  }
0x52: {  	[tilespmem:s6], [sflag:$0x1] =	stream.linear.gather [hbm4b:s5+s2], $0x8000, $0x38;
	[tilespmem:$0x18400] =	vst v63  }
0x53: {  	_ = 	snop  }
0x54: {  	[tilespmem:s8], [sflag:$0x2] =	stream.linear.gather [hbm4b:s7+s2], $0x8000, $0x38;
	[tilespmem:$0x18400] =	vst v63  }
0x55: {  	_ = 	snop  }
0x56: {  	[tilespmem:s10], [sflag:$0x3] =	stream.linear.gather [hbm4b:s9+s2], $0x8000, $0x38;
	[tilespmem:$0x18400] =	vst v63  }
0x57: {  	_ =	swait.ge [sflag:s11], $0x8000  }
0x58: {  	[sflag:s11] =	ssyncset.done $0x0  }
0x59: {  	[sflag:s11] =	ssyncadd.s32 $0xFFFF8000  }
0x5a: {  	[hbm4b:s12+s2] =	stream.linear.scatter [tilespmem:s6], [sflag:$0x4], $0x8000, $0x38;
	[tilespmem:$0x18400] =	vst v63  }
0x5b: {  	_ =	swait.ge [sflag:s13], $0x8000  }
0x5c: {  	[sflag:s13] =	ssyncset.done $0x0  }
0x5d: {  	[sflag:s13] =	ssyncadd.s32 $0xFFFF8000  }
0x5e: {  	[tilespmem:s6], [sflag:$0x1] =	stream.linear.gather [hbm4b:s14+s2], $0x8000, $0x38;
	[tilespmem:$0x18400] =	vst v63  }
0x5f: {  	_ =	swait.ge [sflag:s15], $0x8000  }
0x60: {  	[sflag:s15] =	ssyncset.done $0x0  }
0x61: {  	[sflag:s15] =	ssyncadd.s32 $0xFFFF8000  }
0x62: {  	[hbm4b:s17+s2] =	stream.linear.scatter [tilespmem:s8], [sflag:$0x5], $0x8000, $0x38;
	[tilespmem:$0x18400] =	vst v63  }
0x63: {  	_ =	swait.ge [sflag:s16], $0x8000  }
0x64: {  	[sflag:s16] =	ssyncset.done $0x0  }
0x65: {  	[sflag:s16] =	ssyncadd.s32 $0xFFFF8000  }
0x66: {  	[tilespmem:s8], [sflag:$0x2] =	stream.linear.gather [hbm4b:s18+s2], $0x8000, $0x38;
	[tilespmem:$0x18400] =	vst v63  }
0x67: {  	_ =	swait.ge [sflag:s19], $0x8000  }
0x68: {  	[sflag:s19] =	ssyncset.done $0x0  }
0x69: {  	[sflag:s19] =	ssyncadd.s32 $0xFFFF8000  }
0x6a: {  	[hbm4b:s20+s2] =	stream.linear.scatter [tilespmem:s10], [sflag:$0x6], $0x8000, $0x38;
	[tilespmem:$0x18400] =	vst v63  }
0x6b: {  	_ =	swait.ge [sflag:s21], $0x8000  }
0x6c: {  	[sflag:s21] =	ssyncset.done $0x0  }
0x6d: {  	[sflag:s21] =	ssyncadd.s32 $0xFFFF8000  }
0x6e: {  	[tilespmem:s10], [sflag:$0x3] =	stream.linear.gather [hbm4b:s22+s2], $0x8000, $0x38;
	[tilespmem:$0x18400] =	vst v63  }
0x6f: {  	_ =	swait.ge [sflag:s11], $0x8000  }
0x70: {  	[sflag:s11] =	ssyncset.done $0x0  }
0x71: {  	[sflag:s11] =	ssyncadd.s32 $0xFFFF8000  }
0x72: {  	[hbm4b:s23+s2] =	stream.linear.scatter [tilespmem:s6], [sflag:$0x4], $0x8000, $0x38;
	[tilespmem:$0x18400] =	vst v63  }
0x73: {  	_ =	swait.ge [sflag:s13], $0x8000  }
0x74: {  	[sflag:s13] =	ssyncset.done $0x0  }
0x75: {  	[sflag:s13] =	ssyncadd.s32 $0xFFFF8000  }
0x76: {  	[tilespmem:s6], [sflag:$0x1] =	stream.linear.gather [hbm4b:s24+s2], $0x8000, $0x38;
	[tilespmem:$0x18400] =	vst v63  }
0x77: {  	_ =	swait.ge [sflag:s15], $0x8000  }
0x78: {  	[sflag:s15] =	ssyncset.done $0x0  }
0x79: {  	[sflag:s15] =	ssyncadd.s32 $0xFFFF8000  }
0x7a: {  	[hbm4b:s25+s2] =	stream.linear.scatter [tilespmem:s8], [sflag:$0x5], $0x8000, $0x38;
	[tilespmem:$0x18400] =	vst v63  }
0x7b: {  	_ =	swait.ge [sflag:s16], $0x8000  }
0x7c: {  	[sflag:s16] =	ssyncset.done $0x0  }
0x7d: {  	[sflag:s16] =	ssyncadd.s32 $0xFFFF8000  }
0x7e: {  	[tilespmem:s8], [sflag:$0x2] =	stream.linear.gather [hbm4b:s26+s2], $0x8000, $0x38;
	[tilespmem:$0x18400] =	vst v63  }
0x7f: {  	_ =	swait.ge [sflag:s19], $0x8000  }
0x80: {  	[sflag:s19] =	ssyncset.done $0x0  }
0x81: {  	[sflag:s19] =	ssyncadd.s32 $0xFFFF8000  }
0x82: {  	[hbm4b:s28+s2] =	stream.linear.scatter [tilespmem:s10], [sflag:$0x6], $0x8000, $0x38;
	[tilespmem:$0x18400] =	vst v63  }
0x83: {  	_ =	swait.ge [sflag:s11], $0x8000  }
0x84: {  	[sflag:s11] =	ssyncset.done $0x0  }
0x85: {  	[sflag:s11] =	ssyncadd.s32 $0xFFFF8000  }
0x86: {  	[hbm4b:s29+s2] =	stream.linear.scatter [tilespmem:s6], [sflag:$0x4], $0x8000, $0x38;
	[tilespmem:$0x18400] =	vst v63  }
0x87: {  	_ =	swait.ge [sflag:s15], $0x8000  }
0x88: {  	[sflag:s15] =	ssyncset.done $0x0  }
0x89: {  	[sflag:s15] =	ssyncadd.s32 $0xFFFF8000  }
0x8a: {  	[hbm4b:s30+s2] =	stream.linear.scatter [tilespmem:s8], [sflag:$0x5], $0x8000, $0x38;
	[tilespmem:$0x18400] =	vst v63  }
0x8b: {  	_ =	swait.ge [sflag:s21], $0x8000  }
0x8c: {  	[sflag:s21] =	ssyncset.done $0x0  }
0x8d: {  	[sflag:s21] =	ssyncadd.s32 $0xFFFF8000  }
.Ltmp1:
0x8e: {  	_ =	swait.ge [sflag:s13], $0x8000;
	(pc) =	sbr.rel @p0 .LBB2_1-.Ltmp1, $4  }
0x8f: {  	[sflag:s13] =	ssyncset.done $0x0  }
0x90: {  	[sflag:s13] =	ssyncadd.s32 $0xFFFF8000  }
0x91: {  	_ =	swait.ge [sflag:s16], $0x8000  }
0x92: {  	[sflag:s16] =	ssyncset.done $0x0  }
.LBB2_2:
0x93: {  	[sflag:s16] =	ssyncadd.s32 $0xFFFF8000  }
0x94: {  	_ =	sfence.sel $0x180000  }
0x95: {  	[bflag:$0x0] =	sbarrier.arrive $0xFFFF  }
0x96: {  	_ =	strace $0x90000047  }
0x97: {  	[bflag:$0x2] =	sbarrier.arrive $0xFFFF  }
0x98: {  	p0 =	sne.s32 s0, $0x0;
	s0 =	rddreg [dreg:$0x2]  }
0x99: {  	s0 =	sadd.s32 @!p0 $0x100000, s0  }
0x9a: {  	[sflag:s0] =	ssyncadd.tile.s32 @!p0 $0x1;
	_ =	shalt  }
.Lfunc_end2:
_tile_overlayer_lowered:
.L_overlay_start_2:
0x9b: {  	(tag) =	ssettag $0x2  }
0x9c: {  	s0 =	rddreg [dreg:$0x0];
	s2 =	stileid.u32  }
0x9d: {  	s1 =	rddreg [dreg:$0x1];
	p0 =	sne.s32 s2, $0x0  }
0x9e: {  	s3 =	rddreg [dreg:$0x2];
	[bflag:$0x3] =	sbarrier.arrive $0xFFFF;
	s2 =	simm.s32 @!p0 $0x1C07  }
0x9f: {  	[timem:s3], [sflag:s2] =	dma.local @!p0 [hbm:s0], s1  }
0xa0: {  	s0 =	simm.s32 @!p0 $0x7  }
0xa1: {  	_ =	swait.ge @!p0 [sflag:s0], s1  }
0xa2: {  	s1 =	ssub.s32 @!p0 $0x0, s1;
	[sflag:s0] =	ssyncset.done @!p0 $0x0  }
0xa3: {  	[sflag:s0] =	ssyncadd.s32 @!p0 s1  }
0xa4: {  	[bflag:$0x3] =	sbarrier.arrive $0xFFFF  }
0xa5: {  	_ =	shalt  }

</sc_bundles>
